<compile_context>
chip_gen: v7x
topology: tpu7x:2x2x1
jax: 0.10.2.dev20260603
libtpu: 0.0.44.dev20260713+nightly
codegen_flags: <defaults>
</compile_context>

<pallas_src>
import functools
import math

import jax
import jax.numpy as jnp
from jax import lax
from jax.experimental import pallas as pl
from jax.experimental.pallas import tpu as pltpu
from jax.experimental.pallas import tpu_sc as plsc

HEIGHT = 20
WIDTH = 32
D_HALF = 64
N_SPECIAL = 2

NVALS = 642
MAPN = 648
D_MODEL = 2 * D_HALF
GROUP = 128


def _index_maps(scale):
    v = jnp.arange(MAPN, dtype=jnp.int32)
    a = jnp.maximum(v - N_SPECIAL, 0)
    wdiv = WIDTH / scale
    q = jnp.floor(a / wdiv)
    xi = (q + scale // 2).astype(jnp.int32)
    yi = (a - q * wdiv + scale // 2).astype(jnp.int32)
    valid = v >= N_SPECIAL
    xmap = jnp.where(valid, jnp.clip(xi, 0, HEIGHT - 1), HEIGHT)
    ymap = jnp.where(valid, jnp.clip(yi, 0, WIDTH - 1), WIDTH)
    return xmap.astype(jnp.int32), ymap.astype(jnp.int32)


def _sc_gather(h_ext, w_ext, xmap, ymap, tgt2d, nw):
    nb, tcols = tgt2d.shape
    ntok = nb * tcols
    bpw = nb // nw
    tpw = ntok // nw
    rpw = tpw // GROUP
    nfull = tcols // 16

    mesh = plsc.VectorSubcoreMesh(core_axis_name="c", subcore_axis_name="s")

    @functools.partial(
        pl.kernel,
        mesh=mesh,
        out_type=jax.ShapeDtypeStruct((ntok, D_MODEL), jnp.float32),
        compiler_params=pltpu.CompilerParams(needs_layout_passes=False),
        scratch_types=[
            pltpu.VMEM(h_ext.shape, jnp.float32),
            pltpu.VMEM(w_ext.shape, jnp.float32),
            pltpu.VMEM((MAPN,), jnp.int32),
            pltpu.VMEM((MAPN,), jnp.int32),
            pltpu.VMEM((bpw, tcols), jnp.int32),
            pltpu.VMEM((tpw,), jnp.int32),
            pltpu.VMEM((GROUP, D_MODEL), jnp.float32),
            pltpu.VMEM((GROUP, D_MODEL), jnp.float32),
            pltpu.SemaphoreType.DMA,
            pltpu.SemaphoreType.DMA,
        ],
    )
    def k(h_hbm, w_hbm, xmap_hbm, ymap_hbm, idx_hbm, out_hbm,
          h_v, w_v, xmap_v, ymap_v, idx_raw, idx_v,
          buf_a, buf_b, sem_a, sem_b):
        ncores = jax.lax.axis_size("c")
        wid = lax.axis_index("s") * ncores + lax.axis_index("c")
        pltpu.sync_copy(h_hbm, h_v)
        pltpu.sync_copy(w_hbm, w_v)
        pltpu.sync_copy(xmap_hbm, xmap_v)
        pltpu.sync_copy(ymap_hbm, ymap_v)
        pltpu.sync_copy(idx_hbm.at[pl.ds(wid * bpw, bpw)], idx_raw)

        @plsc.parallel_loop(0, bpw, unroll=1)
        def _(r):
            for u in range(nfull):
                idx_v[pl.ds(r * tcols + u * 16, 16)] = (
                    idx_raw[r, pl.ds(u * 16, 16)])
            if tcols % 16:
                idx_v[pl.ds(r * tcols + tcols - 16, 16)] = (
                    idx_raw[r, pl.ds(tcols - 16, 16)])

        lane = lax.broadcasted_iota(jnp.int32, (16,), 0)
        cvecs = [lane + 16 * u for u in range(D_HALF // 16)]

        def fill(j, buf):
            @plsc.parallel_loop(0, GROUP, unroll=4)
            def _(t):
                tv = t // 16 * 16
                tok = idx_v[pl.ds(j * GROUP + tv, 16)]
                xi = plsc.load_gather(xmap_v, [tok])
                yi = plsc.load_gather(ymap_v, [tok])
                pidx = jnp.full((16,), t % 16, jnp.int32)
                xs = jnp.take_along_axis(xi, pidx, axis=0)
                ys = jnp.take_along_axis(yi, pidx, axis=0)
                for u in range(D_HALF // 16):
                    buf[t, pl.ds(u * 16, 16)] = (
                        plsc.load_gather(h_v, [xs, cvecs[u]]))
                for u in range(D_HALF // 16):
                    buf[t, pl.ds(D_HALF + u * 16, 16)] = (
                        plsc.load_gather(w_v, [ys, cvecs[u]]))

        def out_copy(j, buf, sem):
            base = (wid * rpw + j) * GROUP
            return pltpu.make_async_copy(
                buf, out_hbm.at[pl.ds(base, GROUP)], sem)

        def body(g, carry):
            j0 = 2 * g
            j1 = j0 + 1

            @pl.when(g > 0)
            def _():
                out_copy(j0 - 2, buf_a, sem_a).wait()

            fill(j0, buf_a)
            out_copy(j0, buf_a, sem_a).start()

            @pl.when(g > 0)
            def _():
                out_copy(j1 - 2, buf_b, sem_b).wait()

            fill(j1, buf_b)
            out_copy(j1, buf_b, sem_b).start()
            return carry

        lax.fori_loop(0, rpw // 2, body, 0)
        out_copy(rpw - 2, buf_a, sem_a).wait()
        out_copy(rpw - 1, buf_b, sem_b).wait()

    return k(h_ext, w_ext, xmap, ymap, tgt2d)


def kernel(tgt_seq, scale, pos_h_embedding, pos_w_embedding):
    b, t = tgt_seq.shape
    h_ext = jnp.zeros((HEIGHT + 1, D_HALF), jnp.float32).at[:HEIGHT].set(
        pos_h_embedding)
    w_ext = jnp.zeros((WIDTH + 1, D_HALF), jnp.float32).at[:WIDTH].set(
        pos_w_embedding)
    xmap, ymap = _index_maps(scale)
    info = plsc.get_sparse_core_info()
    nw = info.num_cores * info.num_subcores
    out = _sc_gather(h_ext, w_ext, xmap, ymap, tgt_seq, nw)
    return out.reshape(b, t, D_MODEL)

# --- scband reference (transcript-rebuilt; emitter-appended) ---
"""Pipeline reference for scband-positional-encoding2-d-16887811408620 (READ-ONLY COPY).

The authoritative reference and input builder live on the scoring server;
editing this copy changes nothing except your own understanding.
"""

import jax, jax.numpy as jnp
import numpy as np
import math

HEIGHT = 20
WIDTH = 32
D_HALF = 64  # d_model // 2 after init halving
N_SPECIAL = 2
PAD_IDX = 0
EOS_IDX = 1


def _make_pos_embeddings():
    den = jnp.exp(-jnp.arange(0, D_HALF, 2).astype(jnp.float32) * math.log(10000.0) / D_HALF)
    pos_h = jnp.arange(0, HEIGHT).reshape(HEIGHT, 1).astype(jnp.float32)
    h_emb = jnp.zeros((HEIGHT, D_HALF), dtype=jnp.float32)
    h_emb = h_emb.at[:, 0::2].set(jnp.sin(pos_h * den))
    h_emb = h_emb.at[:, 1::2].set(jnp.cos(pos_h * den))
    pos_w = jnp.arange(0, WIDTH).reshape(WIDTH, 1).astype(jnp.float32)
    w_emb = jnp.zeros((WIDTH, D_HALF), dtype=jnp.float32)
    w_emb = w_emb.at[:, 0::2].set(jnp.sin(pos_w * den))
    w_emb = w_emb.at[:, 1::2].set(jnp.cos(pos_w * den))
    return h_emb, w_emb


def setup_inputs(seed: int = 0) -> dict:
    key = jax.random.key(seed)
    tgt_seq = jax.random.randint(jax.random.fold_in(key, 1), (1024, 200), 0, 642, dtype=jnp.int32)
    pos_h_embedding, pos_w_embedding = _make_pos_embeddings()
    return {
        "tgt_seq": tgt_seq,
        "scale": 1,
        "pos_h_embedding": pos_h_embedding,
        "pos_w_embedding": pos_w_embedding,
    }


def reference(tgt_seq, scale, pos_h_embedding, pos_w_embedding):
    # mask out pad and eos symbols (torch: logical_and of two !=)
    mask = jnp.logical_and(tgt_seq != PAD_IDX, tgt_seq != EOS_IDX)
    # actions only meaningful at masked positions; use 0 elsewhere (zeroed after)
    actions = jnp.where(mask, tgt_seq - N_SPECIAL, 0)
    wdiv = WIDTH / scale  # float, matches torch float division
    y = actions % wdiv + scale // 2
    x = actions // wdiv + scale // 2
    pe_x = jnp.take(pos_h_embedding, x.astype(jnp.int32), axis=0)
    pe_y = jnp.take(pos_w_embedding, y.astype(jnp.int32), axis=0)
    pe_valid = jnp.concatenate([pe_x, pe_y], axis=-1)
    # torch scatters pe_valid into zeros at masked positions; equivalent masked select
    pe = jnp.where(mask[..., None], pe_valid, jnp.zeros((), dtype=jnp.float32))
    return pe

if __name__ == "__main__":
    import jax
    _d = setup_inputs()
    print(jax.jit(kernel)(*tuple(_d.values())))

</pallas_src>

<mosaic_0001>
#map = affine_map<(d0, d1) -> (0, 0)>
#map1 = affine_map<(d0, d1) -> (0)>
module attributes {stable_mosaic.version = 14 : i64} {
  func.func @k(%arg0: i32, %arg1: i32, %arg2: memref<21x64xf32, #tpu.memory_space<hbm>>, %arg3: memref<33x64xf32, #tpu.memory_space<hbm>>, %arg4: memref<648xi32, #tpu.memory_space<hbm>>, %arg5: memref<648xi32, #tpu.memory_space<hbm>>, %arg6: memref<1024x200xi32, #tpu.memory_space<hbm>>, %arg7: memref<204800x128xf32, #tpu.memory_space<hbm>>, %arg8: memref<21x64xf32, #tpu.memory_space<vmem>>, %arg9: memref<33x64xf32, #tpu.memory_space<vmem>>, %arg10: memref<648xi32, #tpu.memory_space<vmem>>, %arg11: memref<648xi32, #tpu.memory_space<vmem>>, %arg12: memref<32x200xi32, #tpu.memory_space<vmem>>, %arg13: memref<6400xi32, #tpu.memory_space<vmem>>, %arg14: memref<128x128xf32, #tpu.memory_space<vmem>>, %arg15: memref<128x128xf32, #tpu.memory_space<vmem>>, %arg16: memref<!tpu.dma_semaphore, #tpu.memory_space<semaphore_mem>>, %arg17: memref<!tpu.dma_semaphore, #tpu.memory_space<semaphore_mem>>) attributes {dimension_semantics = [#tpu.dimension_semantics<core_parallel>, #tpu.dimension_semantics<subcore_parallel>], iteration_bounds = array<i64: 2, 16>, scalar_prefetch = 0 : i64, scratch_operands = 10 : i64, tpu.core_type = #tpu.core_type<sc_vector_subcore>, window_params = [{transform_indices = #map}, {transform_indices = #map}, {transform_indices = #map1}, {transform_indices = #map1}, {transform_indices = #map}, {transform_indices = #map}]} {
    %mul3A = arith.constant 2 : i32
    %mul3A_0 = arith.muli %arg1, %mul3A : i32
    %add3A = arith.addi %mul3A_0, %arg0 : i32
    "tpu.region"() ({
      %run_scoped3A = tpu.sem_alloc : memref<!tpu.dma_semaphore, #tpu.memory_space<semaphore_mem>>
      tpu.enqueue_dma source(%arg2 : memref<21x64xf32, #tpu.memory_space<hbm>>) target(%arg8 : memref<21x64xf32, #tpu.memory_space<vmem>>) target_semaphore(%run_scoped3A : memref<!tpu.dma_semaphore, #tpu.memory_space<semaphore_mem>>)
      tpu.wait_dma2 semaphore(%run_scoped3A : memref<!tpu.dma_semaphore, #tpu.memory_space<semaphore_mem>>) src(%arg2 : memref<21x64xf32, #tpu.memory_space<hbm>>) dst(%arg8 : memref<21x64xf32, #tpu.memory_space<vmem>>)
      tpu.yield
    }) : () -> ()
    "tpu.region"() ({
      %run_scoped3A = tpu.sem_alloc : memref<!tpu.dma_semaphore, #tpu.memory_space<semaphore_mem>>
      tpu.enqueue_dma source(%arg3 : memref<33x64xf32, #tpu.memory_space<hbm>>) target(%arg9 : memref<33x64xf32, #tpu.memory_space<vmem>>) target_semaphore(%run_scoped3A : memref<!tpu.dma_semaphore, #tpu.memory_space<semaphore_mem>>)
      tpu.wait_dma2 semaphore(%run_scoped3A : memref<!tpu.dma_semaphore, #tpu.memory_space<semaphore_mem>>) src(%arg3 : memref<33x64xf32, #tpu.memory_space<hbm>>) dst(%arg9 : memref<33x64xf32, #tpu.memory_space<vmem>>)
      tpu.yield
    }) : () -> ()
    "tpu.region"() ({
      %run_scoped3A = tpu.sem_alloc : memref<!tpu.dma_semaphore, #tpu.memory_space<semaphore_mem>>
      tpu.enqueue_dma source(%arg4 : memref<648xi32, #tpu.memory_space<hbm>>) target(%arg10 : memref<648xi32, #tpu.memory_space<vmem>>) target_semaphore(%run_scoped3A : memref<!tpu.dma_semaphore, #tpu.memory_space<semaphore_mem>>)
      tpu.wait_dma2 semaphore(%run_scoped3A : memref<!tpu.dma_semaphore, #tpu.memory_space<semaphore_mem>>) src(%arg4 : memref<648xi32, #tpu.memory_space<hbm>>) dst(%arg10 : memref<648xi32, #tpu.memory_space<vmem>>)
      tpu.yield
    }) : () -> ()
    "tpu.region"() ({
      %run_scoped3A = tpu.sem_alloc : memref<!tpu.dma_semaphore, #tpu.memory_space<semaphore_mem>>
      tpu.enqueue_dma source(%arg5 : memref<648xi32, #tpu.memory_space<hbm>>) target(%arg11 : memref<648xi32, #tpu.memory_space<vmem>>) target_semaphore(%run_scoped3A : memref<!tpu.dma_semaphore, #tpu.memory_space<semaphore_mem>>)
      tpu.wait_dma2 semaphore(%run_scoped3A : memref<!tpu.dma_semaphore, #tpu.memory_space<semaphore_mem>>) src(%arg5 : memref<648xi32, #tpu.memory_space<hbm>>) dst(%arg11 : memref<648xi32, #tpu.memory_space<vmem>>)
      tpu.yield
    }) : () -> ()
    %mul3A_1 = arith.constant 32 : i32
    %mul3A_2 = arith.muli %add3A, %mul3A_1 : i32
    "tpu.region"() ({
      %run_scoped3A = tpu.sem_alloc : memref<!tpu.dma_semaphore, #tpu.memory_space<semaphore_mem>>
      %dma_start3A = arith.constant 0 : i32
      %dma_start3A_41 = tpu.memref_slice %arg6[%mul3A_2, %dma_start3A] : memref<1024x200xi32, #tpu.memory_space<hbm>> -> memref<32x200xi32, #tpu.memory_space<hbm>>
      %dma_start3A_42 = arith.constant 0 : i32
      %dma_start3A_43 = tpu.memref_slice %arg6[%mul3A_2, %dma_start3A_42] : memref<1024x200xi32, #tpu.memory_space<hbm>> -> memref<32x200xi32, #tpu.memory_space<hbm>>
      tpu.enqueue_dma source(%dma_start3A_43 : memref<32x200xi32, #tpu.memory_space<hbm>>) target(%arg12 : memref<32x200xi32, #tpu.memory_space<vmem>>) target_semaphore(%run_scoped3A : memref<!tpu.dma_semaphore, #tpu.memory_space<semaphore_mem>>)
      %dma_wait3A_44 = arith.constant 0 : i32
      %dma_wait3A_45 = tpu.memref_slice %arg6[%mul3A_2, %dma_wait3A_44] : memref<1024x200xi32, #tpu.memory_space<hbm>> -> memref<32x200xi32, #tpu.memory_space<hbm>>
      %dma_wait3A_46 = arith.constant 0 : i32
      %dma_wait3A_47 = tpu.memref_slice %arg6[%mul3A_2, %dma_wait3A_46] : memref<1024x200xi32, #tpu.memory_space<hbm>> -> memref<32x200xi32, #tpu.memory_space<hbm>>
      tpu.wait_dma2 semaphore(%run_scoped3A : memref<!tpu.dma_semaphore, #tpu.memory_space<semaphore_mem>>) src(%dma_wait3A_47 : memref<32x200xi32, #tpu.memory_space<hbm>>) dst(%arg12 : memref<32x200xi32, #tpu.memory_space<vmem>>)
      tpu.yield
    }) : () -> ()
    %parallel_loop3A = arith.constant 0 : i32
    %parallel_loop3A_3 = arith.constant 32 : i32
    %parallel_loop3A_4 = arith.constant 1 : i32
    scf.for %parallel_loop3A_41 = %parallel_loop3A to %parallel_loop3A_3 step %parallel_loop3A_4  : i32 {
      %parallel_loop3A_42 = arith.index_cast %parallel_loop3A_41 : i32 to index
      %parallel_loop3A_43 = arith.constant 0 : index
      %parallel_loop3A_44 = tpu.vector_load %arg12[%parallel_loop3A_42, %parallel_loop3A_43] {strides = array<i32>} : memref<32x200xi32, #tpu.memory_space<vmem>>, vector<16xi32>,
      %parallel_loop3A_45 = arith.constant 200 : i32
      %parallel_loop3A_46 = arith.muli %parallel_loop3A_41, %parallel_loop3A_45 : i32
      %parallel_loop3A_47 = arith.constant 0 : i32
      %parallel_loop3A_48 = arith.addi %parallel_loop3A_46, %parallel_loop3A_47 : i32
      %parallel_loop3A_49 = arith.index_cast %parallel_loop3A_48 : i32 to index
      %parallel_loop3A_50 = tpu.vector_load %arg13[%parallel_loop3A_49] {strides = array<i32>} : memref<6400xi32, #tpu.memory_space<vmem>>, vector<16xi32>,
      tpu.vector_store %arg13[%parallel_loop3A_49], %parallel_loop3A_44 {strides = array<i32>} : memref<6400xi32, #tpu.memory_space<vmem>>, vector<16xi32>,
      %parallel_loop3A_51 = arith.index_cast %parallel_loop3A_41 : i32 to index
      %parallel_loop3A_52 = arith.constant 16 : index
      %parallel_loop3A_53 = tpu.vector_load %arg12[%parallel_loop3A_51, %parallel_loop3A_52] {strides = array<i32>} : memref<32x200xi32, #tpu.memory_space<vmem>>, vector<16xi32>,
      %parallel_loop3A_54 = arith.constant 200 : i32
      %parallel_loop3A_55 = arith.muli %parallel_loop3A_41, %parallel_loop3A_54 : i32
      %parallel_loop3A_56 = arith.constant 16 : i32
      %parallel_loop3A_57 = arith.addi %parallel_loop3A_55, %parallel_loop3A_56 : i32
      %parallel_loop3A_58 = arith.index_cast %parallel_loop3A_57 : i32 to index
      %parallel_loop3A_59 = tpu.vector_load %arg13[%parallel_loop3A_58] {strides = array<i32>} : memref<6400xi32, #tpu.memory_space<vmem>>, vector<16xi32>,
      tpu.vector_store %arg13[%parallel_loop3A_58], %parallel_loop3A_53 {strides = array<i32>} : memref<6400xi32, #tpu.memory_space<vmem>>, vector<16xi32>,
      %parallel_loop3A_60 = arith.index_cast %parallel_loop3A_41 : i32 to index
      %parallel_loop3A_61 = arith.constant 32 : index
      %parallel_loop3A_62 = tpu.vector_load %arg12[%parallel_loop3A_60, %parallel_loop3A_61] {strides = array<i32>} : memref<32x200xi32, #tpu.memory_space<vmem>>, vector<16xi32>,
      %parallel_loop3A_63 = arith.constant 200 : i32
      %parallel_loop3A_64 = arith.muli %parallel_loop3A_41, %parallel_loop3A_63 : i32
      %parallel_loop3A_65 = arith.constant 32 : i32
      %parallel_loop3A_66 = arith.addi %parallel_loop3A_64, %parallel_loop3A_65 : i32
      %parallel_loop3A_67 = arith.index_cast %parallel_loop3A_66 : i32 to index
      %parallel_loop3A_68 = tpu.vector_load %arg13[%parallel_loop3A_67] {strides = array<i32>} : memref<6400xi32, #tpu.memory_space<vmem>>, vector<16xi32>,
      tpu.vector_store %arg13[%parallel_loop3A_67], %parallel_loop3A_62 {strides = array<i32>} : memref<6400xi32, #tpu.memory_space<vmem>>, vector<16xi32>,
      %parallel_loop3A_69 = arith.index_cast %parallel_loop3A_41 : i32 to index
      %parallel_loop3A_70 = arith.constant 48 : index
      %parallel_loop3A_71 = tpu.vector_load %arg12[%parallel_loop3A_69, %parallel_loop3A_70] {strides = array<i32>} : memref<32x200xi32, #tpu.memory_space<vmem>>, vector<16xi32>,
      %parallel_loop3A_72 = arith.constant 200 : i32
      %parallel_loop3A_73 = arith.muli %parallel_loop3A_41, %parallel_loop3A_72 : i32
      %parallel_loop3A_74 = arith.constant 48 : i32
      %parallel_loop3A_75 = arith.addi %parallel_loop3A_73, %parallel_loop3A_74 : i32
      %parallel_loop3A_76 = arith.index_cast %parallel_loop3A_75 : i32 to index
      %parallel_loop3A_77 = tpu.vector_load %arg13[%parallel_loop3A_76] {strides = array<i32>} : memref<6400xi32, #tpu.memory_space<vmem>>, vector<16xi32>,
      tpu.vector_store %arg13[%parallel_loop3A_76], %parallel_loop3A_71 {strides = array<i32>} : memref<6400xi32, #tpu.memory_space<vmem>>, vector<16xi32>,
      %parallel_loop3A_78 = arith.index_cast %parallel_loop3A_41 : i32 to index
      %parallel_loop3A_79 = arith.constant 64 : index
      %parallel_loop3A_80 = tpu.vector_load %arg12[%parallel_loop3A_78, %parallel_loop3A_79] {strides = array<i32>} : memref<32x200xi32, #tpu.memory_space<vmem>>, vector<16xi32>,
      %parallel_loop3A_81 = arith.constant 200 : i32
      %parallel_loop3A_82 = arith.muli %parallel_loop3A_41, %parallel_loop3A_81 : i32
      %parallel_loop3A_83 = arith.constant 64 : i32
      %parallel_loop3A_84 = arith.addi %parallel_loop3A_82, %parallel_loop3A_83 : i32
      %parallel_loop3A_85 = arith.index_cast %parallel_loop3A_84 : i32 to index
      %parallel_loop3A_86 = tpu.vector_load %arg13[%parallel_loop3A_85] {strides = array<i32>} : memref<6400xi32, #tpu.memory_space<vmem>>, vector<16xi32>,
      tpu.vector_store %arg13[%parallel_loop3A_85], %parallel_loop3A_80 {strides = array<i32>} : memref<6400xi32, #tpu.memory_space<vmem>>, vector<16xi32>,
      %parallel_loop3A_87 = arith.index_cast %parallel_loop3A_41 : i32 to index
      %parallel_loop3A_88 = arith.constant 80 : index
      %parallel_loop3A_89 = tpu.vector_load %arg12[%parallel_loop3A_87, %parallel_loop3A_88] {strides = array<i32>} : memref<32x200xi32, #tpu.memory_space<vmem>>, vector<16xi32>,
      %parallel_loop3A_90 = arith.constant 200 : i32
      %parallel_loop3A_91 = arith.muli %parallel_loop3A_41, %parallel_loop3A_90 : i32
      %parallel_loop3A_92 = arith.constant 80 : i32
      %parallel_loop3A_93 = arith.addi %parallel_loop3A_91, %parallel_loop3A_92 : i32
      %parallel_loop3A_94 = arith.index_cast %parallel_loop3A_93 : i32 to index
      %parallel_loop3A_95 = tpu.vector_load %arg13[%parallel_loop3A_94] {strides = array<i32>} : memref<6400xi32, #tpu.memory_space<vmem>>, vector<16xi32>,
      tpu.vector_store %arg13[%parallel_loop3A_94], %parallel_loop3A_89 {strides = array<i32>} : memref<6400xi32, #tpu.memory_space<vmem>>, vector<16xi32>,
      %parallel_loop3A_96 = arith.index_cast %parallel_loop3A_41 : i32 to index
      %parallel_loop3A_97 = arith.constant 96 : index
      %parallel_loop3A_98 = tpu.vector_load %arg12[%parallel_loop3A_96, %parallel_loop3A_97] {strides = array<i32>} : memref<32x200xi32, #tpu.memory_space<vmem>>, vector<16xi32>,
      %parallel_loop3A_99 = arith.constant 200 : i32
      %parallel_loop3A_100 = arith.muli %parallel_loop3A_41, %parallel_loop3A_99 : i32
      %parallel_loop3A_101 = arith.constant 96 : i32
      %parallel_loop3A_102 = arith.addi %parallel_loop3A_100, %parallel_loop3A_101 : i32
      %parallel_loop3A_103 = arith.index_cast %parallel_loop3A_102 : i32 to index
      %parallel_loop3A_104 = tpu.vector_load %arg13[%parallel_loop3A_103] {strides = array<i32>} : memref<6400xi32, #tpu.memory_space<vmem>>, vector<16xi32>,
      tpu.vector_store %arg13[%parallel_loop3A_103], %parallel_loop3A_98 {strides = array<i32>} : memref<6400xi32, #tpu.memory_space<vmem>>, vector<16xi32>,
      %parallel_loop3A_105 = arith.index_cast %parallel_loop3A_41 : i32 to index
      %parallel_loop3A_106 = arith.constant 112 : index
      %parallel_loop3A_107 = tpu.vector_load %arg12[%parallel_loop3A_105, %parallel_loop3A_106] {strides = array<i32>} : memref<32x200xi32, #tpu.memory_space<vmem>>, vector<16xi32>,
      %parallel_loop3A_108 = arith.constant 200 : i32
      %parallel_loop3A_109 = arith.muli %parallel_loop3A_41, %parallel_loop3A_108 : i32
      %parallel_loop3A_110 = arith.constant 112 : i32
      %parallel_loop3A_111 = arith.addi %parallel_loop3A_109, %parallel_loop3A_110 : i32
      %parallel_loop3A_112 = arith.index_cast %parallel_loop3A_111 : i32 to index
      %parallel_loop3A_113 = tpu.vector_load %arg13[%parallel_loop3A_112] {strides = array<i32>} : memref<6400xi32, #tpu.memory_space<vmem>>, vector<16xi32>,
      tpu.vector_store %arg13[%parallel_loop3A_112], %parallel_loop3A_107 {strides = array<i32>} : memref<6400xi32, #tpu.memory_space<vmem>>, vector<16xi32>,
      %parallel_loop3A_114 = arith.index_cast %parallel_loop3A_41 : i32 to index
      %parallel_loop3A_115 = arith.constant 128 : index
      %parallel_loop3A_116 = tpu.vector_load %arg12[%parallel_loop3A_114, %parallel_loop3A_115] {strides = array<i32>} : memref<32x200xi32, #tpu.memory_space<vmem>>, vector<16xi32>,
      %parallel_loop3A_117 = arith.constant 200 : i32
      %parallel_loop3A_118 = arith.muli %parallel_loop3A_41, %parallel_loop3A_117 : i32
      %parallel_loop3A_119 = arith.constant 128 : i32
      %parallel_loop3A_120 = arith.addi %parallel_loop3A_118, %parallel_loop3A_119 : i32
      %parallel_loop3A_121 = arith.index_cast %parallel_loop3A_120 : i32 to index
      %parallel_loop3A_122 = tpu.vector_load %arg13[%parallel_loop3A_121] {strides = array<i32>} : memref<6400xi32, #tpu.memory_space<vmem>>, vector<16xi32>,
      tpu.vector_store %arg13[%parallel_loop3A_121], %parallel_loop3A_116 {strides = array<i32>} : memref<6400xi32, #tpu.memory_space<vmem>>, vector<16xi32>,
      %parallel_loop3A_123 = arith.index_cast %parallel_loop3A_41 : i32 to index
      %parallel_loop3A_124 = arith.constant 144 : index
      %parallel_loop3A_125 = tpu.vector_load %arg12[%parallel_loop3A_123, %parallel_loop3A_124] {strides = array<i32>} : memref<32x200xi32, #tpu.memory_space<vmem>>, vector<16xi32>,
      %parallel_loop3A_126 = arith.constant 200 : i32
      %parallel_loop3A_127 = arith.muli %parallel_loop3A_41, %parallel_loop3A_126 : i32
      %parallel_loop3A_128 = arith.constant 144 : i32
      %parallel_loop3A_129 = arith.addi %parallel_loop3A_127, %parallel_loop3A_128 : i32
      %parallel_loop3A_130 = arith.index_cast %parallel_loop3A_129 : i32 to index
      %parallel_loop3A_131 = tpu.vector_load %arg13[%parallel_loop3A_130] {strides = array<i32>} : memref<6400xi32, #tpu.memory_space<vmem>>, vector<16xi32>,
      tpu.vector_store %arg13[%parallel_loop3A_130], %parallel_loop3A_125 {strides = array<i32>} : memref<6400xi32, #tpu.memory_space<vmem>>, vector<16xi32>,
      %parallel_loop3A_132 = arith.index_cast %parallel_loop3A_41 : i32 to index
      %parallel_loop3A_133 = arith.constant 160 : index
      %parallel_loop3A_134 = tpu.vector_load %arg12[%parallel_loop3A_132, %parallel_loop3A_133] {strides = array<i32>} : memref<32x200xi32, #tpu.memory_space<vmem>>, vector<16xi32>,
      %parallel_loop3A_135 = arith.constant 200 : i32
      %parallel_loop3A_136 = arith.muli %parallel_loop3A_41, %parallel_loop3A_135 : i32
      %parallel_loop3A_137 = arith.constant 160 : i32
      %parallel_loop3A_138 = arith.addi %parallel_loop3A_136, %parallel_loop3A_137 : i32
      %parallel_loop3A_139 = arith.index_cast %parallel_loop3A_138 : i32 to index
      %parallel_loop3A_140 = tpu.vector_load %arg13[%parallel_loop3A_139] {strides = array<i32>} : memref<6400xi32, #tpu.memory_space<vmem>>, vector<16xi32>,
      tpu.vector_store %arg13[%parallel_loop3A_139], %parallel_loop3A_134 {strides = array<i32>} : memref<6400xi32, #tpu.memory_space<vmem>>, vector<16xi32>,
      %parallel_loop3A_141 = arith.index_cast %parallel_loop3A_41 : i32 to index
      %parallel_loop3A_142 = arith.constant 176 : index
      %parallel_loop3A_143 = tpu.vector_load %arg12[%parallel_loop3A_141, %parallel_loop3A_142] {strides = array<i32>} : memref<32x200xi32, #tpu.memory_space<vmem>>, vector<16xi32>,
      %parallel_loop3A_144 = arith.constant 200 : i32
      %parallel_loop3A_145 = arith.muli %parallel_loop3A_41, %parallel_loop3A_144 : i32
      %parallel_loop3A_146 = arith.constant 176 : i32
      %parallel_loop3A_147 = arith.addi %parallel_loop3A_145, %parallel_loop3A_146 : i32
      %parallel_loop3A_148 = arith.index_cast %parallel_loop3A_147 : i32 to index
      %parallel_loop3A_149 = tpu.vector_load %arg13[%parallel_loop3A_148] {strides = array<i32>} : memref<6400xi32, #tpu.memory_space<vmem>>, vector<16xi32>,
      tpu.vector_store %arg13[%parallel_loop3A_148], %parallel_loop3A_143 {strides = array<i32>} : memref<6400xi32, #tpu.memory_space<vmem>>, vector<16xi32>,
      %parallel_loop3A_150 = arith.index_cast %parallel_loop3A_41 : i32 to index
      %parallel_loop3A_151 = arith.constant 184 : index
      %parallel_loop3A_152 = tpu.vector_load %arg12[%parallel_loop3A_150, %parallel_loop3A_151] {strides = array<i32>} : memref<32x200xi32, #tpu.memory_space<vmem>>, vector<16xi32>,
      %parallel_loop3A_153 = arith.constant 200 : i32
      %parallel_loop3A_154 = arith.muli %parallel_loop3A_41, %parallel_loop3A_153 : i32
      %parallel_loop3A_155 = arith.constant 200 : i32
      %parallel_loop3A_156 = arith.addi %parallel_loop3A_154, %parallel_loop3A_155 : i32
      %parallel_loop3A_157 = arith.constant 16 : i32
      %parallel_loop3A_158 = arith.subi %parallel_loop3A_156, %parallel_loop3A_157 : i32
      %parallel_loop3A_159 = arith.index_cast %parallel_loop3A_158 : i32 to index
      %parallel_loop3A_160 = tpu.vector_load %arg13[%parallel_loop3A_159] {strides = array<i32>} : memref<6400xi32, #tpu.memory_space<vmem>>, vector<16xi32>,
      tpu.vector_store %arg13[%parallel_loop3A_159], %parallel_loop3A_152 {strides = array<i32>} : memref<6400xi32, #tpu.memory_space<vmem>>, vector<16xi32>,
    } {sc.loop_unroll_factor = 1 : i64, sc.parallel_access}
    %iota3A = tpu.iota {dimensions = array<i32: 0>} : vector<16xi32>
    %add3A_5 = arith.constant 0 : i32
    %add3A_6 = vector.broadcast %add3A_5 : i32 to vector<16xi32>
    %add3A_7 = arith.addi %iota3A, %add3A_6 : vector<16xi32>
    %add3A_8 = arith.constant 16 : i32
    %add3A_9 = vector.broadcast %add3A_8 : i32 to vector<16xi32>
    %add3A_10 = arith.addi %iota3A, %add3A_9 : vector<16xi32>
    %add3A_11 = arith.constant 32 : i32
    %add3A_12 = vector.broadcast %add3A_11 : i32 to vector<16xi32>
    %add3A_13 = arith.addi %iota3A, %add3A_12 : vector<16xi32>
    %add3A_14 = arith.constant 48 : i32
    %add3A_15 = vector.broadcast %add3A_14 : i32 to vector<16xi32>
    %add3A_16 = arith.addi %iota3A, %add3A_15 : vector<16xi32>
    %scan3A = arith.constant 0 : i32
    %scan3A_17 = arith.constant 0 : i32
    %scan3A_18 = arith.constant 25 : i32
    %scan3A_19 = arith.addi %scan3A_17, %scan3A_18 : i32
    %scan3A_20 = arith.constant 1 : i32
    scf.for %scan3A_41 = %scan3A_17 to %scan3A_19 step %scan3A_20  : i32 {
      %mul3A_42 = arith.constant 2 : i32
      %mul3A_43 = arith.muli %mul3A_42, %scan3A_41 : i32
      %add3A_44 = arith.constant 1 : i32
      %add3A_45 = arith.addi %mul3A_43, %add3A_44 : i32
      %gt3A = arith.constant 0 : i32
      %gt3A_46 = arith.cmpi sgt, %scan3A_41, %gt3A : i32
      %convert_element_type3A = arith.extui %gt3A_46 : i1 to i32
      %cond3A = arith.constant 0 : i32
      %cond3A_47 = arith.cmpi ne, %convert_element_type3A, %cond3A : i32
      scf.if %cond3A_47 {
        %sub3A = arith.constant 2 : i32
        %sub3A_76 = arith.subi %mul3A_43, %sub3A : i32
        %mul3A_77 = arith.constant 50 : i32
        %mul3A_78 = arith.muli %add3A, %mul3A_77 : i32
        %add3A_79 = arith.addi %mul3A_78, %sub3A_76 : i32
        %mul3A_80 = arith.constant 128 : i32
        %mul3A_81 = arith.muli %add3A_79, %mul3A_80 : i32
        %dma_wait3A_82 = arith.constant 0 : i32
        %dma_wait3A_83 = tpu.memref_slice %arg7[%mul3A_81, %dma_wait3A_82] : memref<204800x128xf32, #tpu.memory_space<hbm>> -> memref<128x128xf32, #tpu.memory_space<hbm>>
        %dma_wait3A_84 = arith.constant 0 : i32
        %dma_wait3A_85 = tpu.memref_slice %arg7[%mul3A_81, %dma_wait3A_84] : memref<204800x128xf32, #tpu.memory_space<hbm>> -> memref<128x128xf32, #tpu.memory_space<hbm>>
        tpu.wait_dma2 semaphore(%arg16 : memref<!tpu.dma_semaphore, #tpu.memory_space<semaphore_mem>>) src(%arg14 : memref<128x128xf32, #tpu.memory_space<vmem>>) dst(%dma_wait3A_85 : memref<128x128xf32, #tpu.memory_space<hbm>>)
      } else {
      }
      %parallel_loop3A_48 = arith.constant 0 : i32
      %parallel_loop3A_49 = arith.constant 128 : i32
      %parallel_loop3A_50 = arith.constant 1 : i32
      scf.for %parallel_loop3A_76 = %parallel_loop3A_48 to %parallel_loop3A_49 step %parallel_loop3A_50  : i32 {
        %parallel_loop3A_77 = arith.constant 16 : i32
        %parallel_loop3A_78 = arith.divsi %parallel_loop3A_76, %parallel_loop3A_77 : i32
        %parallel_loop3A_79 = arith.constant 0 : i32
        %parallel_loop3A_80 = arith.cmpi sgt, %parallel_loop3A_76, %parallel_loop3A_79 : i32
        %parallel_loop3A_81 = arith.extui %parallel_loop3A_80 : i1 to i32
        %parallel_loop3A_82 = arith.constant 0 : i32
        %parallel_loop3A_83 = arith.cmpi slt, %parallel_loop3A_76, %parallel_loop3A_82 : i32
        %parallel_loop3A_84 = arith.extui %parallel_loop3A_83 : i1 to i32
        %parallel_loop3A_85 = arith.subi %parallel_loop3A_81, %parallel_loop3A_84 : i32
        %parallel_loop3A_86 = arith.constant 0 : i32
        %parallel_loop3A_87 = arith.cmpi sgt, %parallel_loop3A_77, %parallel_loop3A_86 : i32
        %parallel_loop3A_88 = arith.extui %parallel_loop3A_87 : i1 to i32
        %parallel_loop3A_89 = arith.constant 0 : i32
        %parallel_loop3A_90 = arith.cmpi slt, %parallel_loop3A_77, %parallel_loop3A_89 : i32
        %parallel_loop3A_91 = arith.extui %parallel_loop3A_90 : i1 to i32
        %parallel_loop3A_92 = arith.subi %parallel_loop3A_88, %parallel_loop3A_91 : i32
        %parallel_loop3A_93 = arith.cmpi ne, %parallel_loop3A_85, %parallel_loop3A_92 : i32
        %parallel_loop3A_94 = arith.remsi %parallel_loop3A_76, %parallel_loop3A_77 : i32
        %parallel_loop3A_95 = arith.constant 0 : i32
        %parallel_loop3A_96 = arith.cmpi ne, %parallel_loop3A_94, %parallel_loop3A_95 : i32
        %parallel_loop3A_97 = arith.andi %parallel_loop3A_93, %parallel_loop3A_96 : i1
        %parallel_loop3A_98 = arith.constant 1 : i32
        %parallel_loop3A_99 = arith.subi %parallel_loop3A_78, %parallel_loop3A_98 : i32
        %parallel_loop3A_100 = arith.select %parallel_loop3A_97, %parallel_loop3A_99, %parallel_loop3A_78 : i32
        %parallel_loop3A_101 = arith.constant 16 : i32
        %parallel_loop3A_102 = arith.muli %parallel_loop3A_100, %parallel_loop3A_101 : i32
        %parallel_loop3A_103 = arith.constant 128 : i32
        %parallel_loop3A_104 = arith.muli %mul3A_43, %parallel_loop3A_103 : i32
        %parallel_loop3A_105 = arith.addi %parallel_loop3A_104, %parallel_loop3A_102 : i32
        %parallel_loop3A_106 = arith.index_cast %parallel_loop3A_105 : i32 to index
        %parallel_loop3A_107 = tpu.vector_load %arg13[%parallel_loop3A_106] {strides = array<i32>} : memref<6400xi32, #tpu.memory_space<vmem>>, vector<16xi32>,
        %parallel_loop3A_108 = tpu.vector_load_idx %arg10[%parallel_loop3A_107] : memref<648xi32, #tpu.memory_space<vmem>>[vector<16xi32>], vector<16xi32>,
        %parallel_loop3A_109 = tpu.vector_load_idx %arg11[%parallel_loop3A_107] : memref<648xi32, #tpu.memory_space<vmem>>[vector<16xi32>], vector<16xi32>,
        %parallel_loop3A_110 = arith.constant 16 : i32
        %parallel_loop3A_111 = arith.constant 0 : i32
        %parallel_loop3A_112 = arith.cmpi eq, %parallel_loop3A_110, %parallel_loop3A_111 : i32
        %parallel_loop3A_113 = arith.constant 1 : i32
        %parallel_loop3A_114 = arith.select %parallel_loop3A_112, %parallel_loop3A_113, %parallel_loop3A_110 : i32
        %parallel_loop3A_115 = arith.remsi %parallel_loop3A_76, %parallel_loop3A_114 : i32
        %parallel_loop3A_116 = arith.constant 0 : i32
        %parallel_loop3A_117 = arith.cmpi ne, %parallel_loop3A_115, %parallel_loop3A_116 : i32
        %parallel_loop3A_118 = arith.constant 0 : i32
        %parallel_loop3A_119 = arith.cmpi slt, %parallel_loop3A_115, %parallel_loop3A_118 : i32
        %parallel_loop3A_120 = arith.constant 0 : i32
        %parallel_loop3A_121 = arith.cmpi slt, %parallel_loop3A_114, %parallel_loop3A_120 : i32
        %parallel_loop3A_122 = arith.xori %parallel_loop3A_119, %parallel_loop3A_121 : i1
        %parallel_loop3A_123 = arith.andi %parallel_loop3A_122, %parallel_loop3A_117 : i1
        %parallel_loop3A_124 = arith.addi %parallel_loop3A_115, %parallel_loop3A_114 : i32
        %parallel_loop3A_125 = arith.select %parallel_loop3A_123, %parallel_loop3A_124, %parallel_loop3A_115 : i32
        %parallel_loop3A_126 = vector.broadcast %parallel_loop3A_125 : i32 to vector<16xi32>
        %parallel_loop3A_127 = arith.constant 0 : i32
        %parallel_loop3A_128 = vector.broadcast %parallel_loop3A_127 : i32 to vector<16xi32>
        %parallel_loop3A_129 = arith.cmpi slt, %parallel_loop3A_126, %parallel_loop3A_128 : vector<16xi32>
        %parallel_loop3A_130 = arith.constant 16 : i32
        %parallel_loop3A_131 = vector.broadcast %parallel_loop3A_130 : i32 to vector<16xi32>
        %parallel_loop3A_132 = arith.addi %parallel_loop3A_126, %parallel_loop3A_131 : vector<16xi32>
        %parallel_loop3A_133 = arith.select %parallel_loop3A_129, %parallel_loop3A_132, %parallel_loop3A_126 : vector<16xi1>, vector<16xi32>
        %parallel_loop3A_134 = vector.shape_cast %parallel_loop3A_133 : vector<16xi32> to vector<16x1xi32>
        %parallel_loop3A_135 = vector.shape_cast %parallel_loop3A_134 : vector<16x1xi32> to vector<16xi32>
        %parallel_loop3A_136 = tpu.dynamic_gather %parallel_loop3A_108[%parallel_loop3A_135] in [0] : vector<16xi32>, vector<16xi32> -> vector<16xi32>
        %parallel_loop3A_137 = arith.constant 0 : i32
        %parallel_loop3A_138 = vector.broadcast %parallel_loop3A_137 : i32 to vector<16xi32>
        %parallel_loop3A_139 = arith.cmpi slt, %parallel_loop3A_126, %parallel_loop3A_138 : vector<16xi32>
        %parallel_loop3A_140 = arith.constant 16 : i32
        %parallel_loop3A_141 = vector.broadcast %parallel_loop3A_140 : i32 to vector<16xi32>
        %parallel_loop3A_142 = arith.addi %parallel_loop3A_126, %parallel_loop3A_141 : vector<16xi32>
        %parallel_loop3A_143 = arith.select %parallel_loop3A_139, %parallel_loop3A_142, %parallel_loop3A_126 : vector<16xi1>, vector<16xi32>
        %parallel_loop3A_144 = vector.shape_cast %parallel_loop3A_143 : vector<16xi32> to vector<16x1xi32>
        %parallel_loop3A_145 = vector.shape_cast %parallel_loop3A_144 : vector<16x1xi32> to vector<16xi32>
        %parallel_loop3A_146 = tpu.dynamic_gather %parallel_loop3A_109[%parallel_loop3A_145] in [0] : vector<16xi32>, vector<16xi32> -> vector<16xi32>
        %parallel_loop3A_147 = tpu.vector_load_idx %arg8[%parallel_loop3A_136, %add3A_7] : memref<21x64xf32, #tpu.memory_space<vmem>>[vector<16xi32>, vector<16xi32>], vector<16xf32>,
        %parallel_loop3A_148 = arith.index_cast %parallel_loop3A_76 : i32 to index
        %parallel_loop3A_149 = arith.constant 0 : index
        %parallel_loop3A_150 = tpu.vector_load %arg14[%parallel_loop3A_148, %parallel_loop3A_149] {strides = array<i32>} : memref<128x128xf32, #tpu.memory_space<vmem>>, vector<16xf32>,
        tpu.vector_store %arg14[%parallel_loop3A_148, %parallel_loop3A_149], %parallel_loop3A_147 {strides = array<i32>} : memref<128x128xf32, #tpu.memory_space<vmem>>, vector<16xf32>,
        %parallel_loop3A_151 = tpu.vector_load_idx %arg8[%parallel_loop3A_136, %add3A_10] : memref<21x64xf32, #tpu.memory_space<vmem>>[vector<16xi32>, vector<16xi32>], vector<16xf32>,
        %parallel_loop3A_152 = arith.index_cast %parallel_loop3A_76 : i32 to index
        %parallel_loop3A_153 = arith.constant 16 : index
        %parallel_loop3A_154 = tpu.vector_load %arg14[%parallel_loop3A_152, %parallel_loop3A_153] {strides = array<i32>} : memref<128x128xf32, #tpu.memory_space<vmem>>, vector<16xf32>,
        tpu.vector_store %arg14[%parallel_loop3A_152, %parallel_loop3A_153], %parallel_loop3A_151 {strides = array<i32>} : memref<128x128xf32, #tpu.memory_space<vmem>>, vector<16xf32>,
        %parallel_loop3A_155 = tpu.vector_load_idx %arg8[%parallel_loop3A_136, %add3A_13] : memref<21x64xf32, #tpu.memory_space<vmem>>[vector<16xi32>, vector<16xi32>], vector<16xf32>,
        %parallel_loop3A_156 = arith.index_cast %parallel_loop3A_76 : i32 to index
        %parallel_loop3A_157 = arith.constant 32 : index
        %parallel_loop3A_158 = tpu.vector_load %arg14[%parallel_loop3A_156, %parallel_loop3A_157] {strides = array<i32>} : memref<128x128xf32, #tpu.memory_space<vmem>>, vector<16xf32>,
        tpu.vector_store %arg14[%parallel_loop3A_156, %parallel_loop3A_157], %parallel_loop3A_155 {strides = array<i32>} : memref<128x128xf32, #tpu.memory_space<vmem>>, vector<16xf32>,
        %parallel_loop3A_159 = tpu.vector_load_idx %arg8[%parallel_loop3A_136, %add3A_16] : memref<21x64xf32, #tpu.memory_space<vmem>>[vector<16xi32>, vector<16xi32>], vector<16xf32>,
        %parallel_loop3A_160 = arith.index_cast %parallel_loop3A_76 : i32 to index
        %parallel_loop3A_161 = arith.constant 48 : index
        %parallel_loop3A_162 = tpu.vector_load %arg14[%parallel_loop3A_160, %parallel_loop3A_161] {strides = array<i32>} : memref<128x128xf32, #tpu.memory_space<vmem>>, vector<16xf32>,
        tpu.vector_store %arg14[%parallel_loop3A_160, %parallel_loop3A_161], %parallel_loop3A_159 {strides = array<i32>} : memref<128x128xf32, #tpu.memory_space<vmem>>, vector<16xf32>,
        %parallel_loop3A_163 = tpu.vector_load_idx %arg9[%parallel_loop3A_146, %add3A_7] : memref<33x64xf32, #tpu.memory_space<vmem>>[vector<16xi32>, vector<16xi32>], vector<16xf32>,
        %parallel_loop3A_164 = arith.index_cast %parallel_loop3A_76 : i32 to index
        %parallel_loop3A_165 = arith.constant 64 : index
        %parallel_loop3A_166 = tpu.vector_load %arg14[%parallel_loop3A_164, %parallel_loop3A_165] {strides = array<i32>} : memref<128x128xf32, #tpu.memory_space<vmem>>, vector<16xf32>,
        tpu.vector_store %arg14[%parallel_loop3A_164, %parallel_loop3A_165], %parallel_loop3A_163 {strides = array<i32>} : memref<128x128xf32, #tpu.memory_space<vmem>>, vector<16xf32>,
        %parallel_loop3A_167 = tpu.vector_load_idx %arg9[%parallel_loop3A_146, %add3A_10] : memref<33x64xf32, #tpu.memory_space<vmem>>[vector<16xi32>, vector<16xi32>], vector<16xf32>,
        %parallel_loop3A_168 = arith.index_cast %parallel_loop3A_76 : i32 to index
        %parallel_loop3A_169 = arith.constant 80 : index
        %parallel_loop3A_170 = tpu.vector_load %arg14[%parallel_loop3A_168, %parallel_loop3A_169] {strides = array<i32>} : memref<128x128xf32, #tpu.memory_space<vmem>>, vector<16xf32>,
        tpu.vector_store %arg14[%parallel_loop3A_168, %parallel_loop3A_169], %parallel_loop3A_167 {strides = array<i32>} : memref<128x128xf32, #tpu.memory_space<vmem>>, vector<16xf32>,
        %parallel_loop3A_171 = tpu.vector_load_idx %arg9[%parallel_loop3A_146, %add3A_13] : memref<33x64xf32, #tpu.memory_space<vmem>>[vector<16xi32>, vector<16xi32>], vector<16xf32>,
        %parallel_loop3A_172 = arith.index_cast %parallel_loop3A_76 : i32 to index
        %parallel_loop3A_173 = arith.constant 96 : index
        %parallel_loop3A_174 = tpu.vector_load %arg14[%parallel_loop3A_172, %parallel_loop3A_173] {strides = array<i32>} : memref<128x128xf32, #tpu.memory_space<vmem>>, vector<16xf32>,
        tpu.vector_store %arg14[%parallel_loop3A_172, %parallel_loop3A_173], %parallel_loop3A_171 {strides = array<i32>} : memref<128x128xf32, #tpu.memory_space<vmem>>, vector<16xf32>,
        %parallel_loop3A_175 = tpu.vector_load_idx %arg9[%parallel_loop3A_146, %add3A_16] : memref<33x64xf32, #tpu.memory_space<vmem>>[vector<16xi32>, vector<16xi32>], vector<16xf32>,
        %parallel_loop3A_176 = arith.index_cast %parallel_loop3A_76 : i32 to index
        %parallel_loop3A_177 = arith.constant 112 : index
        %parallel_loop3A_178 = tpu.vector_load %arg14[%parallel_loop3A_176, %parallel_loop3A_177] {strides = array<i32>} : memref<128x128xf32, #tpu.memory_space<vmem>>, vector<16xf32>,
        tpu.vector_store %arg14[%parallel_loop3A_176, %parallel_loop3A_177], %parallel_loop3A_175 {strides = array<i32>} : memref<128x128xf32, #tpu.memory_space<vmem>>, vector<16xf32>,
      } {sc.loop_unroll_factor = 4 : i64, sc.parallel_access}
      %mul3A_51 = arith.constant 50 : i32
      %mul3A_52 = arith.muli %add3A, %mul3A_51 : i32
      %add3A_53 = arith.addi %mul3A_52, %mul3A_43 : i32
      %mul3A_54 = arith.constant 128 : i32
      %mul3A_55 = arith.muli %add3A_53, %mul3A_54 : i32
      %dma_start3A = arith.constant 0 : i32
      %dma_start3A_56 = tpu.memref_slice %arg7[%mul3A_55, %dma_start3A] : memref<204800x128xf32, #tpu.memory_space<hbm>> -> memref<128x128xf32, #tpu.memory_space<hbm>>
      %dma_start3A_57 = arith.constant 0 : i32
      %dma_start3A_58 = tpu.memref_slice %arg7[%mul3A_55, %dma_start3A_57] : memref<204800x128xf32, #tpu.memory_space<hbm>> -> memref<128x128xf32, #tpu.memory_space<hbm>>
      tpu.enqueue_dma source(%arg14 : memref<128x128xf32, #tpu.memory_space<vmem>>) target(%dma_start3A_58 : memref<128x128xf32, #tpu.memory_space<hbm>>) target_semaphore(%arg16 : memref<!tpu.dma_semaphore, #tpu.memory_space<semaphore_mem>>)
      %gt3A_59 = arith.constant 0 : i32
      %gt3A_60 = arith.cmpi sgt, %scan3A_41, %gt3A_59 : i32
      %convert_element_type3A_61 = arith.extui %gt3A_60 : i1 to i32
      %cond3A_62 = arith.constant 0 : i32
      %cond3A_63 = arith.cmpi ne, %convert_element_type3A_61, %cond3A_62 : i32
      scf.if %cond3A_63 {
        %sub3A = arith.constant 2 : i32
        %sub3A_76 = arith.subi %add3A_45, %sub3A : i32
        %mul3A_77 = arith.constant 50 : i32
        %mul3A_78 = arith.muli %add3A, %mul3A_77 : i32
        %add3A_79 = arith.addi %mul3A_78, %sub3A_76 : i32
        %mul3A_80 = arith.constant 128 : i32
        %mul3A_81 = arith.muli %add3A_79, %mul3A_80 : i32
        %dma_wait3A_82 = arith.constant 0 : i32
        %dma_wait3A_83 = tpu.memref_slice %arg7[%mul3A_81, %dma_wait3A_82] : memref<204800x128xf32, #tpu.memory_space<hbm>> -> memref<128x128xf32, #tpu.memory_space<hbm>>
        %dma_wait3A_84 = arith.constant 0 : i32
        %dma_wait3A_85 = tpu.memref_slice %arg7[%mul3A_81, %dma_wait3A_84] : memref<204800x128xf32, #tpu.memory_space<hbm>> -> memref<128x128xf32, #tpu.memory_space<hbm>>
        tpu.wait_dma2 semaphore(%arg17 : memref<!tpu.dma_semaphore, #tpu.memory_space<semaphore_mem>>) src(%arg15 : memref<128x128xf32, #tpu.memory_space<vmem>>) dst(%dma_wait3A_85 : memref<128x128xf32, #tpu.memory_space<hbm>>)
      } else {
      }
      %parallel_loop3A_64 = arith.constant 0 : i32
      %parallel_loop3A_65 = arith.constant 128 : i32
      %parallel_loop3A_66 = arith.constant 1 : i32
      scf.for %parallel_loop3A_76 = %parallel_loop3A_64 to %parallel_loop3A_65 step %parallel_loop3A_66  : i32 {
        %parallel_loop3A_77 = arith.constant 16 : i32
        %parallel_loop3A_78 = arith.divsi %parallel_loop3A_76, %parallel_loop3A_77 : i32
        %parallel_loop3A_79 = arith.constant 0 : i32
        %parallel_loop3A_80 = arith.cmpi sgt, %parallel_loop3A_76, %parallel_loop3A_79 : i32
        %parallel_loop3A_81 = arith.extui %parallel_loop3A_80 : i1 to i32
        %parallel_loop3A_82 = arith.constant 0 : i32
        %parallel_loop3A_83 = arith.cmpi slt, %parallel_loop3A_76, %parallel_loop3A_82 : i32
        %parallel_loop3A_84 = arith.extui %parallel_loop3A_83 : i1 to i32
        %parallel_loop3A_85 = arith.subi %parallel_loop3A_81, %parallel_loop3A_84 : i32
        %parallel_loop3A_86 = arith.constant 0 : i32
        %parallel_loop3A_87 = arith.cmpi sgt, %parallel_loop3A_77, %parallel_loop3A_86 : i32
        %parallel_loop3A_88 = arith.extui %parallel_loop3A_87 : i1 to i32
        %parallel_loop3A_89 = arith.constant 0 : i32
        %parallel_loop3A_90 = arith.cmpi slt, %parallel_loop3A_77, %parallel_loop3A_89 : i32
        %parallel_loop3A_91 = arith.extui %parallel_loop3A_90 : i1 to i32
        %parallel_loop3A_92 = arith.subi %parallel_loop3A_88, %parallel_loop3A_91 : i32
        %parallel_loop3A_93 = arith.cmpi ne, %parallel_loop3A_85, %parallel_loop3A_92 : i32
        %parallel_loop3A_94 = arith.remsi %parallel_loop3A_76, %parallel_loop3A_77 : i32
        %parallel_loop3A_95 = arith.constant 0 : i32
        %parallel_loop3A_96 = arith.cmpi ne, %parallel_loop3A_94, %parallel_loop3A_95 : i32
        %parallel_loop3A_97 = arith.andi %parallel_loop3A_93, %parallel_loop3A_96 : i1
        %parallel_loop3A_98 = arith.constant 1 : i32
        %parallel_loop3A_99 = arith.subi %parallel_loop3A_78, %parallel_loop3A_98 : i32
        %parallel_loop3A_100 = arith.select %parallel_loop3A_97, %parallel_loop3A_99, %parallel_loop3A_78 : i32
        %parallel_loop3A_101 = arith.constant 16 : i32
        %parallel_loop3A_102 = arith.muli %parallel_loop3A_100, %parallel_loop3A_101 : i32
        %parallel_loop3A_103 = arith.constant 128 : i32
        %parallel_loop3A_104 = arith.muli %add3A_45, %parallel_loop3A_103 : i32
        %parallel_loop3A_105 = arith.addi %parallel_loop3A_104, %parallel_loop3A_102 : i32
        %parallel_loop3A_106 = arith.index_cast %parallel_loop3A_105 : i32 to index
        %parallel_loop3A_107 = tpu.vector_load %arg13[%parallel_loop3A_106] {strides = array<i32>} : memref<6400xi32, #tpu.memory_space<vmem>>, vector<16xi32>,
        %parallel_loop3A_108 = tpu.vector_load_idx %arg10[%parallel_loop3A_107] : memref<648xi32, #tpu.memory_space<vmem>>[vector<16xi32>], vector<16xi32>,
        %parallel_loop3A_109 = tpu.vector_load_idx %arg11[%parallel_loop3A_107] : memref<648xi32, #tpu.memory_space<vmem>>[vector<16xi32>], vector<16xi32>,
        %parallel_loop3A_110 = arith.constant 16 : i32
        %parallel_loop3A_111 = arith.constant 0 : i32
        %parallel_loop3A_112 = arith.cmpi eq, %parallel_loop3A_110, %parallel_loop3A_111 : i32
        %parallel_loop3A_113 = arith.constant 1 : i32
        %parallel_loop3A_114 = arith.select %parallel_loop3A_112, %parallel_loop3A_113, %parallel_loop3A_110 : i32
        %parallel_loop3A_115 = arith.remsi %parallel_loop3A_76, %parallel_loop3A_114 : i32
        %parallel_loop3A_116 = arith.constant 0 : i32
        %parallel_loop3A_117 = arith.cmpi ne, %parallel_loop3A_115, %parallel_loop3A_116 : i32
        %parallel_loop3A_118 = arith.constant 0 : i32
        %parallel_loop3A_119 = arith.cmpi slt, %parallel_loop3A_115, %parallel_loop3A_118 : i32
        %parallel_loop3A_120 = arith.constant 0 : i32
        %parallel_loop3A_121 = arith.cmpi slt, %parallel_loop3A_114, %parallel_loop3A_120 : i32
        %parallel_loop3A_122 = arith.xori %parallel_loop3A_119, %parallel_loop3A_121 : i1
        %parallel_loop3A_123 = arith.andi %parallel_loop3A_122, %parallel_loop3A_117 : i1
        %parallel_loop3A_124 = arith.addi %parallel_loop3A_115, %parallel_loop3A_114 : i32
        %parallel_loop3A_125 = arith.select %parallel_loop3A_123, %parallel_loop3A_124, %parallel_loop3A_115 : i32
        %parallel_loop3A_126 = vector.broadcast %parallel_loop3A_125 : i32 to vector<16xi32>
        %parallel_loop3A_127 = arith.constant 0 : i32
        %parallel_loop3A_128 = vector.broadcast %parallel_loop3A_127 : i32 to vector<16xi32>
        %parallel_loop3A_129 = arith.cmpi slt, %parallel_loop3A_126, %parallel_loop3A_128 : vector<16xi32>
        %parallel_loop3A_130 = arith.constant 16 : i32
        %parallel_loop3A_131 = vector.broadcast %parallel_loop3A_130 : i32 to vector<16xi32>
        %parallel_loop3A_132 = arith.addi %parallel_loop3A_126, %parallel_loop3A_131 : vector<16xi32>
        %parallel_loop3A_133 = arith.select %parallel_loop3A_129, %parallel_loop3A_132, %parallel_loop3A_126 : vector<16xi1>, vector<16xi32>
        %parallel_loop3A_134 = vector.shape_cast %parallel_loop3A_133 : vector<16xi32> to vector<16x1xi32>
        %parallel_loop3A_135 = vector.shape_cast %parallel_loop3A_134 : vector<16x1xi32> to vector<16xi32>
        %parallel_loop3A_136 = tpu.dynamic_gather %parallel_loop3A_108[%parallel_loop3A_135] in [0] : vector<16xi32>, vector<16xi32> -> vector<16xi32>
        %parallel_loop3A_137 = arith.constant 0 : i32
        %parallel_loop3A_138 = vector.broadcast %parallel_loop3A_137 : i32 to vector<16xi32>
        %parallel_loop3A_139 = arith.cmpi slt, %parallel_loop3A_126, %parallel_loop3A_138 : vector<16xi32>
        %parallel_loop3A_140 = arith.constant 16 : i32
        %parallel_loop3A_141 = vector.broadcast %parallel_loop3A_140 : i32 to vector<16xi32>
        %parallel_loop3A_142 = arith.addi %parallel_loop3A_126, %parallel_loop3A_141 : vector<16xi32>
        %parallel_loop3A_143 = arith.select %parallel_loop3A_139, %parallel_loop3A_142, %parallel_loop3A_126 : vector<16xi1>, vector<16xi32>
        %parallel_loop3A_144 = vector.shape_cast %parallel_loop3A_143 : vector<16xi32> to vector<16x1xi32>
        %parallel_loop3A_145 = vector.shape_cast %parallel_loop3A_144 : vector<16x1xi32> to vector<16xi32>
        %parallel_loop3A_146 = tpu.dynamic_gather %parallel_loop3A_109[%parallel_loop3A_145] in [0] : vector<16xi32>, vector<16xi32> -> vector<16xi32>
        %parallel_loop3A_147 = tpu.vector_load_idx %arg8[%parallel_loop3A_136, %add3A_7] : memref<21x64xf32, #tpu.memory_space<vmem>>[vector<16xi32>, vector<16xi32>], vector<16xf32>,
        %parallel_loop3A_148 = arith.index_cast %parallel_loop3A_76 : i32 to index
        %parallel_loop3A_149 = arith.constant 0 : index
        %parallel_loop3A_150 = tpu.vector_load %arg15[%parallel_loop3A_148, %parallel_loop3A_149] {strides = array<i32>} : memref<128x128xf32, #tpu.memory_space<vmem>>, vector<16xf32>,
        tpu.vector_store %arg15[%parallel_loop3A_148, %parallel_loop3A_149], %parallel_loop3A_147 {strides = array<i32>} : memref<128x128xf32, #tpu.memory_space<vmem>>, vector<16xf32>,
        %parallel_loop3A_151 = tpu.vector_load_idx %arg8[%parallel_loop3A_136, %add3A_10] : memref<21x64xf32, #tpu.memory_space<vmem>>[vector<16xi32>, vector<16xi32>], vector<16xf32>,
        %parallel_loop3A_152 = arith.index_cast %parallel_loop3A_76 : i32 to index
        %parallel_loop3A_153 = arith.constant 16 : index
        %parallel_loop3A_154 = tpu.vector_load %arg15[%parallel_loop3A_152, %parallel_loop3A_153] {strides = array<i32>} : memref<128x128xf32, #tpu.memory_space<vmem>>, vector<16xf32>,
        tpu.vector_store %arg15[%parallel_loop3A_152, %parallel_loop3A_153], %parallel_loop3A_151 {strides = array<i32>} : memref<128x128xf32, #tpu.memory_space<vmem>>, vector<16xf32>,
        %parallel_loop3A_155 = tpu.vector_load_idx %arg8[%parallel_loop3A_136, %add3A_13] : memref<21x64xf32, #tpu.memory_space<vmem>>[vector<16xi32>, vector<16xi32>], vector<16xf32>,
        %parallel_loop3A_156 = arith.index_cast %parallel_loop3A_76 : i32 to index
        %parallel_loop3A_157 = arith.constant 32 : index
        %parallel_loop3A_158 = tpu.vector_load %arg15[%parallel_loop3A_156, %parallel_loop3A_157] {strides = array<i32>} : memref<128x128xf32, #tpu.memory_space<vmem>>, vector<16xf32>,
        tpu.vector_store %arg15[%parallel_loop3A_156, %parallel_loop3A_157], %parallel_loop3A_155 {strides = array<i32>} : memref<128x128xf32, #tpu.memory_space<vmem>>, vector<16xf32>,
        %parallel_loop3A_159 = tpu.vector_load_idx %arg8[%parallel_loop3A_136, %add3A_16] : memref<21x64xf32, #tpu.memory_space<vmem>>[vector<16xi32>, vector<16xi32>], vector<16xf32>,
        %parallel_loop3A_160 = arith.index_cast %parallel_loop3A_76 : i32 to index
        %parallel_loop3A_161 = arith.constant 48 : index
        %parallel_loop3A_162 = tpu.vector_load %arg15[%parallel_loop3A_160, %parallel_loop3A_161] {strides = array<i32>} : memref<128x128xf32, #tpu.memory_space<vmem>>, vector<16xf32>,
        tpu.vector_store %arg15[%parallel_loop3A_160, %parallel_loop3A_161], %parallel_loop3A_159 {strides = array<i32>} : memref<128x128xf32, #tpu.memory_space<vmem>>, vector<16xf32>,
        %parallel_loop3A_163 = tpu.vector_load_idx %arg9[%parallel_loop3A_146, %add3A_7] : memref<33x64xf32, #tpu.memory_space<vmem>>[vector<16xi32>, vector<16xi32>], vector<16xf32>,
        %parallel_loop3A_164 = arith.index_cast %parallel_loop3A_76 : i32 to index
        %parallel_loop3A_165 = arith.constant 64 : index
        %parallel_loop3A_166 = tpu.vector_load %arg15[%parallel_loop3A_164, %parallel_loop3A_165] {strides = array<i32>} : memref<128x128xf32, #tpu.memory_space<vmem>>, vector<16xf32>,
        tpu.vector_store %arg15[%parallel_loop3A_164, %parallel_loop3A_165], %parallel_loop3A_163 {strides = array<i32>} : memref<128x128xf32, #tpu.memory_space<vmem>>, vector<16xf32>,
        %parallel_loop3A_167 = tpu.vector_load_idx %arg9[%parallel_loop3A_146, %add3A_10] : memref<33x64xf32, #tpu.memory_space<vmem>>[vector<16xi32>, vector<16xi32>], vector<16xf32>,
        %parallel_loop3A_168 = arith.index_cast %parallel_loop3A_76 : i32 to index
        %parallel_loop3A_169 = arith.constant 80 : index
        %parallel_loop3A_170 = tpu.vector_load %arg15[%parallel_loop3A_168, %parallel_loop3A_169] {strides = array<i32>} : memref<128x128xf32, #tpu.memory_space<vmem>>, vector<16xf32>,
        tpu.vector_store %arg15[%parallel_loop3A_168, %parallel_loop3A_169], %parallel_loop3A_167 {strides = array<i32>} : memref<128x128xf32, #tpu.memory_space<vmem>>, vector<16xf32>,
        %parallel_loop3A_171 = tpu.vector_load_idx %arg9[%parallel_loop3A_146, %add3A_13] : memref<33x64xf32, #tpu.memory_space<vmem>>[vector<16xi32>, vector<16xi32>], vector<16xf32>,
        %parallel_loop3A_172 = arith.index_cast %parallel_loop3A_76 : i32 to index
        %parallel_loop3A_173 = arith.constant 96 : index
        %parallel_loop3A_174 = tpu.vector_load %arg15[%parallel_loop3A_172, %parallel_loop3A_173] {strides = array<i32>} : memref<128x128xf32, #tpu.memory_space<vmem>>, vector<16xf32>,
        tpu.vector_store %arg15[%parallel_loop3A_172, %parallel_loop3A_173], %parallel_loop3A_171 {strides = array<i32>} : memref<128x128xf32, #tpu.memory_space<vmem>>, vector<16xf32>,
        %parallel_loop3A_175 = tpu.vector_load_idx %arg9[%parallel_loop3A_146, %add3A_16] : memref<33x64xf32, #tpu.memory_space<vmem>>[vector<16xi32>, vector<16xi32>], vector<16xf32>,
        %parallel_loop3A_176 = arith.index_cast %parallel_loop3A_76 : i32 to index
        %parallel_loop3A_177 = arith.constant 112 : index
        %parallel_loop3A_178 = tpu.vector_load %arg15[%parallel_loop3A_176, %parallel_loop3A_177] {strides = array<i32>} : memref<128x128xf32, #tpu.memory_space<vmem>>, vector<16xf32>,
        tpu.vector_store %arg15[%parallel_loop3A_176, %parallel_loop3A_177], %parallel_loop3A_175 {strides = array<i32>} : memref<128x128xf32, #tpu.memory_space<vmem>>, vector<16xf32>,
      } {sc.loop_unroll_factor = 4 : i64, sc.parallel_access}
      %mul3A_67 = arith.constant 50 : i32
      %mul3A_68 = arith.muli %add3A, %mul3A_67 : i32
      %add3A_69 = arith.addi %mul3A_68, %add3A_45 : i32
      %mul3A_70 = arith.constant 128 : i32
      %mul3A_71 = arith.muli %add3A_69, %mul3A_70 : i32
      %dma_start3A_72 = arith.constant 0 : i32
      %dma_start3A_73 = tpu.memref_slice %arg7[%mul3A_71, %dma_start3A_72] : memref<204800x128xf32, #tpu.memory_space<hbm>> -> memref<128x128xf32, #tpu.memory_space<hbm>>
      %dma_start3A_74 = arith.constant 0 : i32
      %dma_start3A_75 = tpu.memref_slice %arg7[%mul3A_71, %dma_start3A_74] : memref<204800x128xf32, #tpu.memory_space<hbm>> -> memref<128x128xf32, #tpu.memory_space<hbm>>
      tpu.enqueue_dma source(%arg15 : memref<128x128xf32, #tpu.memory_space<vmem>>) target(%dma_start3A_75 : memref<128x128xf32, #tpu.memory_space<hbm>>) target_semaphore(%arg17 : memref<!tpu.dma_semaphore, #tpu.memory_space<semaphore_mem>>)
    }
    %scan3A_21 = arith.constant 25 : i32
    %mul3A_22 = arith.constant 50 : i32
    %mul3A_23 = arith.muli %add3A, %mul3A_22 : i32
    %add3A_24 = arith.constant 48 : i32
    %add3A_25 = arith.addi %mul3A_23, %add3A_24 : i32
    %mul3A_26 = arith.constant 128 : i32
    %mul3A_27 = arith.muli %add3A_25, %mul3A_26 : i32
    %dma_wait3A = arith.constant 0 : i32
    %dma_wait3A_28 = tpu.memref_slice %arg7[%mul3A_27, %dma_wait3A] : memref<204800x128xf32, #tpu.memory_space<hbm>> -> memref<128x128xf32, #tpu.memory_space<hbm>>
    %dma_wait3A_29 = arith.constant 0 : i32
    %dma_wait3A_30 = tpu.memref_slice %arg7[%mul3A_27, %dma_wait3A_29] : memref<204800x128xf32, #tpu.memory_space<hbm>> -> memref<128x128xf32, #tpu.memory_space<hbm>>
    tpu.wait_dma2 semaphore(%arg16 : memref<!tpu.dma_semaphore, #tpu.memory_space<semaphore_mem>>) src(%arg14 : memref<128x128xf32, #tpu.memory_space<vmem>>) dst(%dma_wait3A_30 : memref<128x128xf32, #tpu.memory_space<hbm>>)
    %mul3A_31 = arith.constant 50 : i32
    %mul3A_32 = arith.muli %add3A, %mul3A_31 : i32
    %add3A_33 = arith.constant 49 : i32
    %add3A_34 = arith.addi %mul3A_32, %add3A_33 : i32
    %mul3A_35 = arith.constant 128 : i32
    %mul3A_36 = arith.muli %add3A_34, %mul3A_35 : i32
    %dma_wait3A_37 = arith.constant 0 : i32
    %dma_wait3A_38 = tpu.memref_slice %arg7[%mul3A_36, %dma_wait3A_37] : memref<204800x128xf32, #tpu.memory_space<hbm>> -> memref<128x128xf32, #tpu.memory_space<hbm>>
    %dma_wait3A_39 = arith.constant 0 : i32
    %dma_wait3A_40 = tpu.memref_slice %arg7[%mul3A_36, %dma_wait3A_39] : memref<204800x128xf32, #tpu.memory_space<hbm>> -> memref<128x128xf32, #tpu.memory_space<hbm>>
    tpu.wait_dma2 semaphore(%arg17 : memref<!tpu.dma_semaphore, #tpu.memory_space<semaphore_mem>>) src(%arg15 : memref<128x128xf32, #tpu.memory_space<vmem>>) dst(%dma_wait3A_40 : memref<128x128xf32, #tpu.memory_space<hbm>>)
    return
  }
}

</mosaic_0001>

<sc_bundles>
// kernel: kernel.3.cloned.1.call-start
scs
__scs_entry_jumppad:
0x0: {  	(pc) =	sbr.rel $0x88, $3  }
0x1: {  	(tag) =	ssettag $0x0;
	lr =	simm.s32 $0x1  }
0x2: {  	[smem:$0x3F9D] =	sst lr;
	_ =	strace $0xD0000000  }
0x3: {  	_ = 	snop  }
0x4: {  	_ = 	snop  }
0x5: {  	_ = 	snop  }
0x6: {  	_ = 	snop  }
0x7: {  	_ = 	snop  }
__scs_overlays_trampoline_lowered:
0x8: {  	[smem:$0x3FAC] =	sst s0  }
0x9: {  	[smem:$0x3FAD] =	sst s1  }
0xa: {  	[smem:$0x3FAE] =	sst s2  }
0xb: {  	[smem:$0x3FAF] =	sst s3  }
0xc: {  	[smem:$0x3FB0] =	sst s4  }
0xd: {  	[smem:$0x3FB1] =	sst s5  }
0xe: {  	[smem:$0x3FB2] =	sst s6  }
0xf: {  	[smem:$0x3FB3] =	sst s7  }
0x10: {  	[smem:$0x3FB4] =	sst s8  }
0x11: {  	[smem:$0x3FB5] =	sst s9;
	s0 =	simm.s32 @!p0 $0x0  }
0x12: {  	s1 =	sld [smem:$0x3F9B];
	s0 =	simm.s32 @p0 $0x1  }
0x13: {  	[smem:$0x3FB6] =	sst s0;
	s0 =	simm.s32 @!p1 $0x0  }
0x14: {  	s2 =	sld [smem:$0x3F9A];
	s0 =	simm.s32 @p1 $0x1  }
0x15: {  	[smem:$0x3FB7] =	sst s0;
	s0 =	simm.s32 @!p2 $0x0  }
0x16: {  	s3 =	sld [smem:$0x3FDB];
	s0 =	simm.s32 @p2 $0x1  }
0x17: {  	s4 =	simm.s32 $0x1BF5;
	[smem:$0x3FB9] =	sst s0  }
0x18: {  	s0 =	sld [smem:$0x3F9C];
	_ =	swait.ge [sflag:s4], $0x0  }
0x19: {  	s7 =	sld [smem:$0x3F9D]  }
0x1a: {  	s8 =	sadd.s32 $0xFFFFE003, lr  }
0x1b: {  	s9 =	sadd.s32 $0xFFFFFEF7, lr;
	s5 =	simm.s32 $0xFFFFFFFF;
	p2 =	slt.u32 s8, $0xFFFFF086  }
0x1c: {  	p1 =	slt.u32 s9, $0xF7A;
	s5 =	simm.s32 @!p2 $0x0  }
0x1d: {  	s5 =	simm.s32 @p1 $0x1;
	p0 =	seq.s32 s7, s2  }
0x1e: {  	s7 =	smul.u32 @!p0 $0xF7A, s2;
	p2 =	seq.s32 @!p0 s5, $0x0  }
0x1f: {  	s9 =	smul.u32 $0xF7A, s1;
	s8 =	simm.s32 @!p0 $0x1BF5;
	p2 =	por !p2, p0  }
0x20: {  	[sflag:s8] =	ssyncset.s32 @!p0 $0xFFFFF086;
	s6 =	sadd.s32 @!p0 s3, s7;
	s7 =	simm.s32 @!p0 $0x108  }
0x21: {  	s3 =	sadd.s32 s3, s9;
	s6 =	sadd.s32 @!p0 $0x88, s6;
	s7 =	simm.s32 @p2 $0x1082  }
0x22: {  	[simem:s7], [sflag:s8] =	dma.local @!p0 [hbm:s6], $0xF7A  }
0x23: {  	s9 =	sor.u32 $0xD0000000, s2;
	s6 =	simm.s32 $0x108;
	_ =	swait.ge @!p0 [sflag:s8], $0x0  }
0x24: {  	s3 =	sadd.s32 $0x88, s3;
	s6 =	simm.s32 @!p1 $0x1082;
	[sflag:s4] =	ssyncset.s32 $0xFFFFF086  }
0x25: {  	[simem:s6], [sflag:s4] =	dma.local [hbm:s3], $0xF7A  }
0x26: {  	[smem:$0x3F9D] =	sst s1;
	(tag) =	ssettag s2;
	_ =	strace s9  }
0x27: {  	s1 =	sld [smem:$0x3FAD]  }
0x28: {  	s2 =	sld [smem:$0x3FAE]  }
0x29: {  	s4 =	sld [smem:$0x3FB0]  }
0x2a: {  	p0 =	seq.s32 s5, $0x0;
	s5 =	sld [smem:$0x3FB1]  }
0x2b: {  	s6 =	sld [smem:$0x3FB2]  }
0x2c: {  	s7 =	sld [smem:$0x3FB3]  }
0x2d: {  	s3 =	simm.s32 $0x108;
	s8 =	sld [smem:$0x3FB4]  }
0x2e: {  	s3 =	simm.s32 @!p0 $0x1082;
	s9 =	sld [smem:$0x3FB5]  }
0x2f: {  	lr =	sadd.s32 s0, s3;
	s0 =	sld [smem:$0x3FAC]  }
0x30: {  	s3 =	sld [smem:$0x3FAF]  }
0x31: {  	[smem:$0x3FB8] =	sst s10  }
0x32: {  	s10 =	sld [smem:$0x3FB6];
	_ =	sdelay $0x3  }
0x33: {  	p0 =	seq.s32 s10, $0x1;
	s10 =	sld [smem:$0x3FB8];
	_ =	sdelay $0x3  }
0x34: {  	[smem:$0x3FB8] =	sst s10  }
0x35: {  	s10 =	sld [smem:$0x3FB7];
	_ =	sdelay $0x3  }
0x36: {  	p1 =	seq.s32 s10, $0x1;
	s10 =	sld [smem:$0x3FB8];
	_ =	sdelay $0x3  }
0x37: {  	[smem:$0x3FB8] =	sst s10  }
0x38: {  	s10 =	sld [smem:$0x3FB9]  }
0x39: {  	_ = 	snop;
	(pc) =	sbr.ind lr, $3  }
0x3a: {  	_ = 	snop  }
0x3b: {  	_ = 	snop  }
0x3c: {  	p2 =	seq.s32 s10, $0x1;
	s10 =	sld [smem:$0x3FB8]  }
0x3d: {  	_ =	shalt  }
0x3e: {  	_ =	shalt  }
0x3f: {  	_ =	shalt  }
0x40: {  	_ =	shalt  }
0x41: {  	_ =	shalt  }
0x42: {  	_ =	shalt  }
0x43: {  	_ =	shalt  }
0x44: {  	_ =	shalt  }
0x45: {  	_ =	shalt  }
0x46: {  	_ =	shalt  }
0x47: {  	_ =	shalt  }
0x48: {  	_ =	shalt  }
0x49: {  	_ =	shalt  }
0x4a: {  	_ =	shalt  }
0x4b: {  	_ =	shalt  }
0x4c: {  	_ =	shalt  }
0x4d: {  	_ =	shalt  }
0x4e: {  	_ =	shalt  }
0x4f: {  	_ =	shalt  }
0x50: {  	_ =	shalt  }
0x51: {  	_ =	shalt  }
0x52: {  	_ =	shalt  }
0x53: {  	_ =	shalt  }
0x54: {  	_ =	shalt  }
0x55: {  	_ =	shalt  }
0x56: {  	_ =	shalt  }
0x57: {  	_ =	shalt  }
0x58: {  	_ =	shalt  }
0x59: {  	_ =	shalt  }
0x5a: {  	_ =	shalt  }
0x5b: {  	_ =	shalt  }
0x5c: {  	_ =	shalt  }
0x5d: {  	_ =	shalt  }
0x5e: {  	_ =	shalt  }
0x5f: {  	_ =	shalt  }
0x60: {  	_ =	shalt  }
0x61: {  	_ =	shalt  }
0x62: {  	_ =	shalt  }
0x63: {  	_ =	shalt  }
0x64: {  	_ =	shalt  }
0x65: {  	_ =	shalt  }
0x66: {  	_ =	shalt  }
0x67: {  	_ =	shalt  }
0x68: {  	_ =	shalt  }
0x69: {  	_ =	shalt  }
0x6a: {  	_ =	shalt  }
0x6b: {  	_ =	shalt  }
0x6c: {  	_ =	shalt  }
0x6d: {  	_ =	shalt  }
0x6e: {  	_ =	shalt  }
0x6f: {  	_ =	shalt  }
0x70: {  	_ =	shalt  }
0x71: {  	_ =	shalt  }
0x72: {  	_ =	shalt  }
0x73: {  	_ =	shalt  }
0x74: {  	_ =	shalt  }
0x75: {  	_ =	shalt  }
0x76: {  	_ =	shalt  }
0x77: {  	_ =	shalt  }
0x78: {  	_ =	shalt  }
0x79: {  	_ =	shalt  }
0x7a: {  	_ =	shalt  }
0x7b: {  	_ =	shalt  }
0x7c: {  	_ =	shalt  }
0x7d: {  	_ =	shalt  }
0x7e: {  	_ =	shalt  }
0x7f: {  	_ =	shalt  }
0x80: {  	_ =	shalt  }
0x81: {  	_ =	shalt  }
0x82: {  	_ =	shalt  }
0x83: {  	_ =	shalt  }
0x84: {  	_ =	shalt  }
0x85: {  	_ =	shalt  }
0x86: {  	_ =	shalt  }
0x87: {  	_ =	shalt  }
.Lfunc_end0:
.L_simem_size_0:
called_computation_lowered:
.L_overlay_start_0:
0x88: {  	s2 =	sld [smem:$0x3FD9]  }
0x89: {  	s3 =	sld [smem:$0x3FFE];
	_ =	sdelay $0x1  }
0x8a: {  	s1 =	srdreg.scid  }
0x8b: {  	s0 =	sand.u32 $0x1, s1  }
0x8c: {  	s17 =	sshll.u32 s0, $0xA;
	s2 =	sadd.s32 s3, s2  }
0x8d: {  	s2 =	sadd.s32 s2, s17  }
0x8e: {  	[smem:$0x3FC4] =	sst s2  }
0x8f: {  	_ = 	snop  }
0x90: {  	s2 =	sld [smem:$0x3FD0];
	(tm) =	ssettm $0x1  }
0x91: {  	s18 =	sld [smem:$0x3FFB];
	_ =	sdelay $0x3  }
0x92: {  	_ =	strace s18  }
0x93: {  	s3 =	sld [smem:$0x3FFC];
	_ =	sdelay $0x3  }
0x94: {  	_ =	strace s3  }
0x95: {  	s3 =	sld [smem:$0x3FFD];
	_ =	sdelay $0x3  }
0x96: {  	_ =	strace s3  }
0x97: {  	_ =	strace $0x8FFFFFFF  }
0x98: {  	s19 =	sld [smem:$0x3FDB];
	_ =	sdelay $0x1  }
0x99: {  	s4 =	simm.s32 $_scs_section_size  }
0x9a: {  	s5 =	simm.s32 $_size__tile_overlayer_lowered;
	s6 =	simm.s32 $_tile_overlayer_lowered  }
0x9b: {  	s22 =	simm.s32 $0x1BFF;
	s21 =	sshll.u32 s6, $0x1;
	s3 =	sadd.s32 s4, s19  }
0x9c: {  	s7 =	simm.s32 $0x0;
	s20 =	sshll.u32 s5, $0x1;
	s5 =	sadd.s32 s21, s3  }
0x9d: {  	[timem:s7], [sflag:s22] =	dma.local [hbm:s5], s20  }
0x9e: {  	_ =	swait.ge [sflag:s22], s20  }
0x9f: {  	s4 =	ssub.s32 $0x0, s20;
	[sflag:s22] =	ssyncset.done $0x0  }
0xa0: {  	[sflag:s22] =	ssyncadd.s32 s4;
	_ =	sdelay $0x1  }
0xa1: {  	s23 =	simm.s32 $0x1B8B  }
0xa2: {  	_ =	swait.ge [sflag:s23], $0x1  }
0xa3: {  	[sflag:s23] =	ssyncset.done $0x0  }
0xa4: {  	s25 =	simm.s32 $0x1B8E;
	s24 =	sld [smem:$0x3FFE];
	[sflag:s23] =	ssyncadd.s32 $0xFFFFFFFF  }
0xa5: {  	s26 =	simm.s32 $execute0_lowered;
	[smem:$0x3FD2] =	sst s25  }
0xa6: {  	s5 =	sshll.u32 s26, $0x1;
	_ =	strace $0x80000046;
	[dreg:$0x1] =	wrdreg $0xFFFFFFFF  }
0xa7: {  	s28 =	simm.s32 $_size_execute0_lowered;
	s3 =	sadd.s32 s3, s5;
	[dreg:$0x0] =	wrdreg $0x0  }
0xa8: {  	s5 =	sshll.u32 s28, $0x1;
	[dreg:$0x2] =	wrdreg s3  }
0xa9: {  	[dreg:$0x3] =	wrdreg s5  }
0xaa: {  	[dreg:$0x4] =	wrdreg $0xC0  }
0xab: {  	_ =	task [dreg:s7], $0x5FFFF  }
0xac: {  	[dreg:$0x1] =	wrdreg $0xFFFFFFFF  }
0xad: {  	[dreg:$0x0] =	wrdreg $0x60  }
0xae: {  	[dreg:$0x2] =	wrdreg s24  }
0xaf: {  	[dreg:$0x3] =	wrdreg s2  }
0xb0: {  	[dreg:$0x4] =	wrdreg $0x9  }
0xb1: {  	_ =	task.clear_ibuf [dreg:s7], $0x5FFFF;
	_ =	strace $0x90000046  }
0xb2: {  	s29 =	simm.s32 $0x9;
	_ =	strace $0x80000048  }
0xb3: {  	_ =	swait.ge [sflag:s29], $0x1  }
0xb4: {  	[sflag:s29] =	ssyncadd.s32 $0xFFFFFFFF  }
0xb5: {  	_ =	strace $0x90000048  }
0xb6: {  	_ =	sfence  }
0xb7: {  	s30 =	sld [smem:$0x0];
	_ =	sdelay $0x2  }
0xb8: {  	s31 =	sshll.u32 s1, $0xD;
	s1 =	sshrl.u32 s1, $0x2  }
0xb9: {  	s3 =	sand.u32 $0x4000, s31;
	s1 =	sadd.s32 s1, s30  }
0xba: {  	s0 =	sor.u32 s3, s0;
	s1 =	sshll.u32 s1, $0x11  }
0xbb: {  	s0 =	sor.u32 s1, s0  }
0xbc: {  	s0 =	sadd.s32 $0x8F2B, s0  }
0xbd: {  	[sflag:s0] =	ssyncadd.remote.s32 $0x1  }
0xbe: {  	_ =	sfence.sel $0xFFFF  }
0xbf: {  	[dreg:$0x0] =	wrdreg $0xFFFFFFFF;
	(pc) =	sbr.abs _section_cstart, $3  }
0xc0: {  	[dreg:$0x1] =	wrdreg $0xFFFFFFFF  }
0xc1: {  	_ =	task.clear_ibuf [dreg:s7], $0x2FFFF;
	_ =	strace $0x9FFFFFFF  }
0xc2: {  	(tm) =	ssettm $0x7FFFFFFF  }
0xc3: {  	_ =	shalt  }
tec
execute0_lowered:
.L_overlay_start_1:
0x0: {  	(tag) =	ssettag $0x1  }
0x1: {  	s0 =	rddreg [dreg:$0x0]  }
0x2: {  	s2 =	rddreg [dreg:$0x1];
	s3 =	simm.s32 $0x0;
	s1 =	srdreg.scid  }
0x3: {  	s4 =	stileid.u32;
	s11 =	simm.s32 $0x3;
	s12 =	simm.s32 $0xC00  }
0x4: {  	s13 =	simm.s32 $0x2000;
	s14 =	simm.s32 $0x2300;
	s16 =	simm.s32 $0x5F00  }
0x5: {  	s17 =	simm.s32 $0x9F00;
	s18 =	simm.s32 $0x1;
	s19 =	simm.s32 $0x2  }
0x6: {  	s20 =	simm.s32 $0x0;
	[smem:$0x7FF] =	sst s3;
	s1 =	sand.u32 $0x1, s1  }
0x7: {  	s4 =	sshll.u32 s4, $0x1;
	s5 =	sadd.s32 $0x600, s0;
	s28 =	sadd.s32 $0x800, s0  }
0x8: {  	s6 =	sadd.s32 $0x8E00, s0;
	s7 =	sadd.s32 $0x8C00, s0;
	_ =	strace $0x80000047  }
0x9: {  	[dreg:$0x3] =	wrdreg s5;
	s4 =	sor.u32 s1, s4;
	s1 =	ssub.s32 $0x2, s1  }
0xa: {  	[dreg:$0x4] =	wrdreg s28;
	s29 =	sshll.u32 s4, $0xA;
	s30 =	sshrl.u32 s1, $0x1  }
0xb: {  	v0 =	vlaneseq.u32;
	[dreg:$0x5] =	wrdreg s6;
	s5 =	sadd.s32 s29, s0;
	s31 =	ssub.s32 s1, s30  }
0xc: {  	v1 =	vor.u32 $0x10, v0;
	v2 =	vor.u32 $0x20, v0;
	v3 =	vor.u32 $0x30, v0;
	s9 =	smul.u32 $0x32, s4;
	s8 =	sadd.s32 $0xC00, s5;
	s10 =	smax.u32 s31, $0x1  }
.LBB2_1:
0xd: {  	s0 =	rddreg [dreg:$0x3]  }
0xe: {  	[tilespmem:s3], [sflag:$0x3] =	stream.linear.gather [hbm4b:s0+s3], $0xA80, $0x38;
	[tilespmem:$0xDF00] =	vst v63  }
0xf: {  	_ =	swait.ge [sflag:s11], $0xA80  }
0x10: {  	[sflag:s11] =	ssyncset.done $0x0  }
0x11: {  	s5 =	rddreg [dreg:$0x4];
	[sflag:s11] =	ssyncadd.s32 $0xFFFFF580  }
0x12: {  	[tilespmem:s12], [sflag:$0x3] =	stream.linear.gather [hbm4b:s5+s3], $0x1080, $0x38;
	[tilespmem:$0xDF00] =	vst v63  }
0x13: {  	_ =	swait.ge [sflag:s11], $0x1080  }
0x14: {  	[sflag:s11] =	ssyncset.done $0x0  }
0x15: {  	s6 =	rddreg [dreg:$0x5];
	[sflag:s11] =	ssyncadd.s32 $0xFFFFEF80  }
0x16: {  	[tilespmem:s13], [sflag:$0x3] =	stream.linear.gather [hbm4b:s6+s3], $0x300, $0x38;
	[tilespmem:$0xDF00] =	vst v63  }
0x17: {  	_ =	swait.ge [sflag:s11], $0x300  }
0x18: {  	[sflag:s11] =	ssyncset.done $0x0  }
0x19: {  	[sflag:s11] =	ssyncadd.s32 $0xFFFFFD00  }
0x1a: {  	[tilespmem:s14], [sflag:$0x3] =	stream.linear.gather [hbm4b:s7+s3], $0x300, $0x38;
	[tilespmem:$0xDF00] =	vst v63  }
0x1b: {  	_ =	swait.ge [sflag:s11], $0x300  }
0x1c: {  	[sflag:s11] =	ssyncset.done $0x0  }
0x1d: {  	s15 =	simm.s32 $0x2600;
	[sflag:s11] =	ssyncadd.s32 $0xFFFFFD00  }
0x1e: {  	[tilespmem:s15], [sflag:$0x3] =	stream.linear.gather [hbm4b:s8+s3], $0x2000, $0x38;
	[tilespmem:$0xDF00] =	vst v63  }
0x1f: {  	_ =	swait.ge [sflag:s11], $0x2000  }
0x20: {  	s21 =	sand.u32 $0x1800, s3;
	s1 =	sand.u32 $0x380, s3;
	[sflag:s11] =	ssyncset.done $0x0  }
0x21: {  	s15 =	sor.u32 s1, s21;
	[sflag:s11] =	ssyncadd.s32 $0xFFFFE000  }
0x22: {  	v4 =	vld [tilespmem:s15+$0x2600];
	_ =	sdelay $0x3  }
0x23: {  	s25 =	simm.s32 $0x4660  }
0x24: {  	[tilespmem:s25+$0xFFFFFFA0] =	vst v4  }
0x25: {  	v4 =	vld [tilespmem:s15+$0x2610];
	_ =	sdelay $0x3  }
0x26: {  	s22 =	simm.s32 $0x100;
	s23 =	simm.s32 $0x80  }
0x27: {  	s0 =	sand.u32 $0x1800, s22;
	s1 =	sand.u32 $0x380, s23;
	[tilespmem:s25+$0xFFFFFFB0] =	vst v4  }
0x28: {  	s22 =	sor.u32 s1, s0;
	v4 =	vld [tilespmem:s15+$0x2620]  }
0x29: {  	v5 =	vld [tilespmem:s22+$0x2600];
	_ =	sdelay $0x3  }
0x2a: {  	s21 =	simm.s32 $0x4728;
	[tilespmem:s25+$0xFFFFFFC0] =	vst v4  }
0x2b: {  	[tilespmem:s21+$0xFFFFFFA0] =	vst v5;
	v4 =	vld [tilespmem:s15+$0x2630]  }
0x2c: {  	v5 =	vld [tilespmem:s22+$0x2610];
	_ =	sdelay $0x3  }
0x2d: {  	s24 =	simm.s32 $0x200;
	s26 =	simm.s32 $0x100;
	[tilespmem:s25+$0xFFFFFFD0] =	vst v4  }
0x2e: {  	s0 =	sand.u32 $0x1800, s24;
	s1 =	sand.u32 $0x380, s26;
	[tilespmem:s21+$0xFFFFFFB0] =	vst v5;
	v4 =	vld [tilespmem:s15+$0x2640]  }
0x2f: {  	s24 =	sor.u32 s1, s0;
	v5 =	vld [tilespmem:s22+$0x2620]  }
0x30: {  	v6 =	vld [tilespmem:s24+$0x2600];
	_ =	sdelay $0x2  }
0x31: {  	[tilespmem:s25+$0xFFFFFFE0] =	vst v4  }
0x32: {  	s23 =	simm.s32 $0x47F0;
	[tilespmem:s21+$0xFFFFFFC0] =	vst v5;
	v4 =	vld [tilespmem:s15+$0x2650]  }
0x33: {  	[tilespmem:s23+$0xFFFFFFA0] =	vst v6;
	v5 =	vld [tilespmem:s22+$0x2630]  }
0x34: {  	v6 =	vld [tilespmem:s24+$0x2610];
	_ =	sdelay $0x2  }
0x35: {  	[tilespmem:s25+$0xFFFFFFF0] =	vst v4  }
0x36: {  	s4 =	simm.s32 $0x180;
	s1 =	simm.s32 $0x300;
	[tilespmem:s21+$0xFFFFFFD0] =	vst v5;
	v4 =	vld [tilespmem:s15+$0x2660]  }
0x37: {  	s0 =	sand.u32 $0x1800, s1;
	s1 =	sand.u32 $0x380, s4;
	[tilespmem:s23+$0xFFFFFFB0] =	vst v6;
	v5 =	vld [tilespmem:s22+$0x2640]  }
0x38: {  	s28 =	sor.u32 s1, s0;
	v6 =	vld [tilespmem:s24+$0x2620]  }
0x39: {  	v7 =	vld [tilespmem:s28+$0x2600];
	_ =	sdelay $0x1  }
0x3a: {  	[tilespmem:s25+$0x0] =	vst v4  }
0x3b: {  	[tilespmem:s21+$0xFFFFFFE0] =	vst v5;
	v4 =	vld [tilespmem:s15+$0x2670]  }
0x3c: {  	s26 =	simm.s32 $0x48B8;
	[tilespmem:s23+$0xFFFFFFC0] =	vst v6;
	v5 =	vld [tilespmem:s22+$0x2650]  }
0x3d: {  	[tilespmem:s26+$0xFFFFFFA0] =	vst v7;
	v6 =	vld [tilespmem:s24+$0x2630]  }
0x3e: {  	v7 =	vld [tilespmem:s28+$0x2610];
	_ =	sdelay $0x1  }
0x3f: {  	[tilespmem:s25+$0x10] =	vst v4  }
0x40: {  	[tilespmem:s21+$0xFFFFFFF0] =	vst v5;
	v4 =	vld [tilespmem:s15+$0x2A00]  }
0x41: {  	s5 =	simm.s32 $0x400;
	s6 =	simm.s32 $0x200;
	[tilespmem:s23+$0xFFFFFFD0] =	vst v6;
	v5 =	vld [tilespmem:s22+$0x2660]  }
0x42: {  	s0 =	sand.u32 $0x1800, s5;
	s1 =	sand.u32 $0x380, s6;
	[tilespmem:s26+$0xFFFFFFB0] =	vst v7;
	v6 =	vld [tilespmem:s24+$0x2640]  }
0x43: {  	s29 =	sor.u32 s1, s0;
	v7 =	vld [tilespmem:s28+$0x2620]  }
0x44: {  	s1 =	sand.u32 $0x1FF8, s3;
	v8 =	vld [tilespmem:s29+$0x2600]  }
0x45: {  	[tilespmem:s1+$0x4680] =	vst v4  }
0x46: {  	[tilespmem:s21+$0x0] =	vst v5;
	v4 =	vld [tilespmem:s15+$0x2A10]  }
0x47: {  	[tilespmem:s23+$0xFFFFFFE0] =	vst v6;
	v5 =	vld [tilespmem:s22+$0x2670]  }
0x48: {  	s30 =	simm.s32 $0x4980;
	[tilespmem:s26+$0xFFFFFFC0] =	vst v7;
	v6 =	vld [tilespmem:s24+$0x2650]  }
0x49: {  	[tilespmem:s30+$0xFFFFFFA0] =	vst v8;
	v7 =	vld [tilespmem:s28+$0x2630]  }
0x4a: {  	v8 =	vld [tilespmem:s29+$0x2610]  }
0x4b: {  	[tilespmem:s25+$0x30] =	vst v4  }
0x4c: {  	[tilespmem:s21+$0x10] =	vst v5;
	v4 =	vld [tilespmem:s15+$0x2A20]  }
0x4d: {  	[tilespmem:s23+$0xFFFFFFF0] =	vst v6;
	v5 =	vld [tilespmem:s22+$0x2A00]  }
0x4e: {  	s4 =	simm.s32 $0x500;
	s5 =	simm.s32 $0x280;
	[tilespmem:s26+$0xFFFFFFD0] =	vst v7;
	v6 =	vld [tilespmem:s24+$0x2660]  }
0x4f: {  	s0 =	sand.u32 $0x1800, s4;
	[tilespmem:s30+$0xFFFFFFB0] =	vst v8;
	v7 =	vld [tilespmem:s28+$0x2640];
	s1 =	sand.u32 $0x380, s5  }
0x50: {  	v8 =	vld [tilespmem:s29+$0x2620];
	s31 =	sor.u32 s1, s0;
	s1 =	simm.s32 $0xC8  }
0x51: {  	v9 =	vld [tilespmem:s31+$0x2600];
	s6 =	sand.u32 $0x1FF8, s1;
	[tilespmem:s25+$0x40] =	vst v4  }
0x52: {  	[tilespmem:s6+$0x4680] =	vst v5;
	v4 =	vld [tilespmem:s15+$0x2A30]  }
0x53: {  	[tilespmem:s23+$0x0] =	vst v6;
	v5 =	vld [tilespmem:s22+$0x2A10]  }
0x54: {  	[tilespmem:s26+$0xFFFFFFE0] =	vst v7;
	v6 =	vld [tilespmem:s24+$0x2670]  }
0x55: {  	[tilespmem:s30+$0xFFFFFFC0] =	vst v8;
	v7 =	vld [tilespmem:s28+$0x2650];
	s0 =	simm.s32 $0x4A48  }
0x56: {  	v8 =	vld [tilespmem:s29+$0x2630];
	[tilespmem:s0+$0xFFFFFFA0] =	vst v9  }
0x57: {  	v9 =	vld [tilespmem:s31+$0x2610];
	[tilespmem:s25+$0x50] =	vst v4  }
0x58: {  	[tilespmem:s21+$0x30] =	vst v5;
	v5 =	vld [tilespmem:s15+$0x2A38]  }
0x59: {  	[tilespmem:s23+$0x10] =	vst v6;
	v4 =	vld [tilespmem:s22+$0x2A20]  }
0x5a: {  	[tilespmem:s26+$0xFFFFFFF0] =	vst v7;
	v6 =	vld [tilespmem:s24+$0x2A00]  }
0x5b: {  	s4 =	simm.s32 $0x300;
	[tilespmem:s30+$0xFFFFFFD0] =	vst v8;
	v7 =	vld [tilespmem:s28+$0x2660];
	s5 =	simm.s32 $0x600  }
0x5c: {  	v8 =	vld [tilespmem:s29+$0x2640];
	s5 =	sand.u32 $0x1800, s5;
	s6 =	sand.u32 $0x380, s4;
	[tilespmem:s0+$0xFFFFFFB0] =	vst v9;
	s15 =	simm.s32 $0x700  }
.LBB2_2:
0x5d: {  	p0 =	sne.s32 s15, $0x1F00;
	s5 =	sor.u32 s6, s5;
	v9 =	vld [tilespmem:s31+$0x2620];
	s1 =	sadd.s32 $0xC8, s1;
	[tilespmem:s25+$0x58] =	vst v5  }
0x5e: {  	s25 =	smov.u32 s21;
	v5 =	vld [tilespmem:s5+$0x2600];
	s6 =	sand.u32 $0x1FF8, s1;
	[tilespmem:s21+$0x40] =	vst v4;
	s21 =	smov.u32 s23  }
0x5f: {  	s23 =	smov.u32 s26;
	s26 =	smov.u32 s30;
	s30 =	smov.u32 s0;
	[tilespmem:s6+$0x4680] =	vst v6;
	v4 =	vld [tilespmem:s22+$0x2A30]  }
0x60: {  	[tilespmem:s23+$0x0] =	vst v7;
	v6 =	vld [tilespmem:s24+$0x2A10]  }
0x61: {  	[tilespmem:s26+$0xFFFFFFE0] =	vst v8;
	v7 =	vld [tilespmem:s28+$0x2670]  }
0x62: {  	s0 =	sadd.s32 $0xC8, s0;
	[tilespmem:s30+$0xFFFFFFC0] =	vst v9;
	v8 =	vld [tilespmem:s29+$0x2650]  }
0x63: {  	[tilespmem:s0+$0xFFFFFFA0] =	vst v5;
	v9 =	vld [tilespmem:s31+$0x2630]  }
0x64: {  	v10 =	vld [tilespmem:s5+$0x2610];
	[tilespmem:s25+$0x50] =	vst v4  }
.Ltmp0:
0x65: {  	[tilespmem:s21+$0x30] =	vst v6;
	v5 =	vld [tilespmem:s22+$0x2A38];
	s22 =	smov.u32 s24;
	s24 =	smov.u32 s28;
	(pc) =	sbr.rel @p0 .LBB2_2-.Ltmp0, $4  }
0x66: {  	s28 =	smov.u32 s29;
	s29 =	smov.u32 s31;
	s31 =	smov.u32 s5;
	[tilespmem:s23+$0x10] =	vst v7;
	v4 =	vld [tilespmem:s22+$0x2A20]  }
0x67: {  	[tilespmem:s26+$0xFFFFFFF0] =	vst v8;
	v6 =	vld [tilespmem:s24+$0x2A00]  }
0x68: {  	s4 =	sadd.s32 $0x80, s4;
	[tilespmem:s30+$0xFFFFFFD0] =	vst v9;
	v7 =	vld [tilespmem:s28+$0x2660]  }
0x69: {  	s6 =	sand.u32 $0x380, s4;
	s5 =	sand.u32 $0x1800, s15;
	s15 =	sadd.s32 $0x100, s15;
	[tilespmem:s0+$0xFFFFFFB0] =	vst v10;
	v8 =	vld [tilespmem:s29+$0x2640]  }
0x6a: {  	s4 =	sor.u32 s6, s5  }
0x6b: {  	v9 =	vld [tilespmem:s4+$0x2600];
	_ =	sdelay $0x3  }
0x6c: {  	s15 =	sadd.s32 $0xC8, s0  }
0x6d: {  	[tilespmem:s15+$0xFFFFFFA0] =	vst v9  }
0x6e: {  	v9 =	vld [tilespmem:s4+$0x2610];
	_ =	sdelay $0x4  }
0x6f: {  	v10 =	vld [tilespmem:s31+$0x2620];
	[tilespmem:s15+$0xFFFFFFB0] =	vst v9  }
0x70: {  	v9 =	vld [tilespmem:s4+$0x2620];
	_ =	sdelay $0x3  }
0x71: {  	[tilespmem:s0+$0xFFFFFFC0] =	vst v10  }
0x72: {  	v10 =	vld [tilespmem:s31+$0x2630];
	[tilespmem:s15+$0xFFFFFFC0] =	vst v9  }
0x73: {  	v9 =	vld [tilespmem:s4+$0x2630];
	_ =	sdelay $0x3  }
0x74: {  	[tilespmem:s0+$0xFFFFFFD0] =	vst v10  }
0x75: {  	v10 =	vld [tilespmem:s31+$0x2640];
	[tilespmem:s15+$0xFFFFFFD0] =	vst v9  }
0x76: {  	v9 =	vld [tilespmem:s4+$0x2640];
	_ =	sdelay $0x1  }
0x77: {  	[tilespmem:s30+$0xFFFFFFE0] =	vst v8  }
0x78: {  	v8 =	vld [tilespmem:s29+$0x2650]  }
0x79: {  	[tilespmem:s0+$0xFFFFFFE0] =	vst v10  }
0x7a: {  	v10 =	vld [tilespmem:s31+$0x2650];
	[tilespmem:s15+$0xFFFFFFE0] =	vst v9  }
0x7b: {  	v9 =	vld [tilespmem:s4+$0x2650];
	_ =	sdelay $0x1  }
0x7c: {  	[tilespmem:s30+$0xFFFFFFF0] =	vst v8  }
0x7d: {  	v8 =	vld [tilespmem:s29+$0x2660]  }
0x7e: {  	[tilespmem:s0+$0xFFFFFFF0] =	vst v10  }
0x7f: {  	v10 =	vld [tilespmem:s31+$0x2660];
	[tilespmem:s15+$0xFFFFFFF0] =	vst v9  }
0x80: {  	v9 =	vld [tilespmem:s4+$0x2660]  }
0x81: {  	[tilespmem:s26+$0x0] =	vst v7  }
0x82: {  	v7 =	vld [tilespmem:s28+$0x2670];
	[tilespmem:s30+$0x0] =	vst v8  }
0x83: {  	v8 =	vld [tilespmem:s29+$0x2670]  }
0x84: {  	[tilespmem:s0+$0x0] =	vst v10  }
0x85: {  	v10 =	vld [tilespmem:s31+$0x2670];
	[tilespmem:s15+$0x0] =	vst v9  }
0x86: {  	v9 =	vld [tilespmem:s4+$0x2670]  }
0x87: {  	[tilespmem:s26+$0x10] =	vst v7  }
0x88: {  	v7 =	vld [tilespmem:s28+$0x2A00];
	[tilespmem:s30+$0x10] =	vst v8  }
0x89: {  	v8 =	vld [tilespmem:s29+$0x2A00]  }
0x8a: {  	s1 =	sadd.s32 $0xC8, s1;
	[tilespmem:s0+$0x10] =	vst v10  }
0x8b: {  	s6 =	sand.u32 $0x1FF8, s1;
	s1 =	sadd.s32 $0xC8, s1;
	v10 =	vld [tilespmem:s31+$0x2A00];
	[tilespmem:s15+$0x10] =	vst v9  }
0x8c: {  	[tilespmem:s6+$0x4680] =	vst v6;
	s6 =	sand.u32 $0x1FF8, s1;
	s1 =	sadd.s32 $0xC8, s1;
	v9 =	vld [tilespmem:s4+$0x2A00]  }
0x8d: {  	v6 =	vld [tilespmem:s24+$0x2A10];
	[tilespmem:s6+$0x4680] =	vst v7;
	s6 =	sand.u32 $0x1FF8, s1  }
0x8e: {  	s1 =	sadd.s32 $0xC8, s1;
	v7 =	vld [tilespmem:s28+$0x2A10];
	[tilespmem:s6+$0x4680] =	vst v8  }
0x8f: {  	[tilespmem:s25+$0x58] =	vst v5;
	s6 =	sand.u32 $0x1FF8, s1;
	s1 =	sadd.s32 $0xC8, s1;
	v8 =	vld [tilespmem:s29+$0x2A10]  }
0x90: {  	s1 =	sand.u32 $0x1FF8, s1;
	[tilespmem:s6+$0x4680] =	vst v10  }
0x91: {  	v63 =	vld [tilespmem:s31+$0x2A10];
	[tilespmem:s1+$0x4680] =	vst v9  }
0x92: {  	[tilespmem:s23+$0x30] =	vst v6;
	v5 =	vld [tilespmem:s4+$0x2A10]  }
0x93: {  	v6 =	vld [tilespmem:s24+$0x2A20];
	[tilespmem:s26+$0x30] =	vst v7  }
0x94: {  	v7 =	vld [tilespmem:s28+$0x2A20];
	[tilespmem:s30+$0x30] =	vst v8  }
0x95: {  	[tilespmem:s21+$0x40] =	vst v4;
	v8 =	vld [tilespmem:s29+$0x2A20]  }
0x96: {  	[tilespmem:s0+$0x30] =	vst v63  }
0x97: {  	v9 =	vld [tilespmem:s31+$0x2A20];
	[tilespmem:s15+$0x30] =	vst v5  }
0x98: {  	[tilespmem:s23+$0x40] =	vst v6;
	v4 =	vld [tilespmem:s4+$0x2A20]  }
0x99: {  	v6 =	vld [tilespmem:s24+$0x2A30];
	[tilespmem:s26+$0x40] =	vst v7  }
0x9a: {  	v7 =	vld [tilespmem:s28+$0x2A30];
	[tilespmem:s30+$0x40] =	vst v8  }
0x9b: {  	v8 =	vld [tilespmem:s29+$0x2A30]  }
0x9c: {  	[tilespmem:s0+$0x40] =	vst v9;
	v5 =	vld [tilespmem:s22+$0x2A30]  }
0x9d: {  	v9 =	vld [tilespmem:s31+$0x2A30];
	[tilespmem:s15+$0x40] =	vst v4  }
0x9e: {  	[tilespmem:s23+$0x50] =	vst v6;
	v4 =	vld [tilespmem:s4+$0x2A30]  }
0x9f: {  	v6 =	vld [tilespmem:s24+$0x2A38];
	[tilespmem:s26+$0x50] =	vst v7  }
0xa0: {  	v7 =	vld [tilespmem:s28+$0x2A38];
	[tilespmem:s30+$0x50] =	vst v8  }
0xa1: {  	v8 =	vld [tilespmem:s29+$0x2A38];
	[tilespmem:s21+$0x50] =	vst v5  }
0xa2: {  	[tilespmem:s0+$0x50] =	vst v9;
	v5 =	vld [tilespmem:s22+$0x2A38]  }
0xa3: {  	v9 =	vld [tilespmem:s31+$0x2A38];
	[tilespmem:s15+$0x50] =	vst v4  }
0xa4: {  	[tilespmem:s23+$0x58] =	vst v6;
	v4 =	vld [tilespmem:s4+$0x2A38]  }
0xa5: {  	[tilespmem:s26+$0x58] =	vst v7  }
0xa6: {  	[tilespmem:s30+$0x58] =	vst v8  }
0xa7: {  	[tilespmem:s21+$0x58] =	vst v5  }
0xa8: {  	[tilespmem:s0+$0x58] =	vst v9  }
0xa9: {  	s21 =	simm.s32 $0x0;
	[tilespmem:s15+$0x58] =	vst v4  }
.LBB2_4:
0xaa: {  	s0 =	sshll.u32 s21, $0x8  }
0xab: {  	s0 =	sand.u32 $0x3FFFFF00, s0  }
0xac: {  	s0 =	sadd.s32 $0x4600, s0  }
0xad: {  	p0 =	seq.s32 s21, $0x0;
	v4 =	vmov s0  }
0xae: {  	s0 =	simm.s32 @!p0 $0x1  }
0xaf: {  	_ =	swait.ge @!p0 [sflag:s0], $0x4000  }
0xb0: {  	s1 =	simm.s32 $0x0;
	[sflag:s0] =	ssyncset.done @!p0 $0x0  }
0xb1: {  	s25 =	sand.u32 $0x70, s1;
	[sflag:s0] =	ssyncadd.s32 @!p0 $0xFFFFC000  }
0xb2: {  	v5 =	vld.idx.msk [tilespmem:v4+s25+$0x0 ss:$0x1], $0xffff;
	_ =	sdelay $0x7  }
0xb3: {  	v6 =	vld.idx.msk [tilespmem:v5+s13+$0x0], $0xffff;
	_ =	sdelay $0x1  }
0xb4: {  	s26 =	simm.s32 $0x2  }
0xb5: {  	s0 =	sand.u32 $0xE, s26  }
0xb6: {  	v7 =	vmov s0  }
0xb7: {  	s1 =	sand.u32 $0xC, s1;
	v9 =	vperm.xlane v6, v7  }
0xb8: {  	v8 =	vmov s1  }
0xb9: {  	s29 =	simm.s32 $0x1;
	v10 =	vperm.xlane v6, v8;
	v9 =	vshll.u32 v9, $0x7  }
0xba: {  	s0 =	sand.u32 $0xD, s29;
	v11 =	vor.u32 v0, v9  }
0xbb: {  	s30 =	simm.s32 $0x3;
	v12 =	vmov s0;
	v10 =	vshll.u32 v10, $0x7  }
0xbc: {  	s0 =	sand.u32 $0xF, s30;
	v14 =	vperm.xlane v6, v12;
	v13 =	vor.u32 v0, v10  }
0xbd: {  	v15 =	vmov s0  }
0xbe: {  	v6 =	vperm.xlane v6, v15;
	v14 =	vshll.u32 v14, $0x7  }
0xbf: {  	v16 =	vor.u32 v0, v14;
	v11 =	vld.idx.msk [tilespmem:v11+s3+$0x0], $0xffff  }
0xc0: {  	s31 =	simm.s32 $0x4;
	v6 =	vshll.u32 v6, $0x7;
	v17 =	vor.u32 v1, v9  }
0xc1: {  	s4 =	sand.u32 $0x70, s31;
	v19 =	vor.u32 v0, v6;
	v13 =	vld.idx.msk [tilespmem:v13+s3+$0x0], $0xffff  }
0xc2: {  	v20 =	vld.idx.msk [tilespmem:v4+s4+$0x0 ss:$0x1], $0xffff;
	v18 =	vor.u32 v1, v10  }
0xc3: {  	s24 =	simm.s32 $0x6000;
	v5 =	vld.idx.msk [tilespmem:v5+s14+$0x0], $0xffff  }
0xc4: {  	v16 =	vld.idx.msk [tilespmem:v16+s3+$0x0], $0xffff;
	[tilespmem:s24+$0x0] =	vst v11  }
0xc5: {  	v11 =	vld.idx.msk [tilespmem:v17+s3+$0x0], $0xffff  }
0xc6: {  	v19 =	vld.idx.msk [tilespmem:v19+s3+$0x0], $0xffff;
	[tilespmem:s24+$0xFFFFFF00] =	vst v13;
	v13 =	vor.u32 v2, v9  }
0xc7: {  	v17 =	vld.idx.msk [tilespmem:v18+s3+$0x0], $0xffff;
	v18 =	vor.u32 v1, v14  }
0xc8: {  	v22 =	vor.u32 v1, v6  }
0xc9: {  	v21 =	vor.u32 v2, v10  }
0xca: {  	[tilespmem:s24+$0x10] =	vst v11  }
0xcb: {  	[tilespmem:s24+$0xFFFFFF80] =	vst v16;
	v11 =	vld.idx.msk [tilespmem:v13+s3+$0x0], $0xffff  }
0xcc: {  	v9 =	vor.u32 v3, v9;
	[tilespmem:s24+$0x80] =	vst v19;
	v13 =	vld.idx.msk [tilespmem:v18+s3+$0x0], $0xffff  }
0xcd: {  	[tilespmem:s24+$0xFFFFFF10] =	vst v17;
	v17 =	vor.u32 v2, v14;
	v18 =	vld.idx.msk [tilespmem:v22+s3+$0x0], $0xffff  }
0xce: {  	v16 =	vld.idx.msk [tilespmem:v21+s3+$0x0], $0xffff;
	v21 =	vor.u32 v2, v6  }
0xcf: {  	v7 =	vperm.xlane v5, v7;
	v10 =	vor.u32 v3, v10;
	v19 =	vld.idx.msk [tilespmem:v20+s13+$0x0], $0xffff  }
0xd0: {  	[tilespmem:s24+$0x20] =	vst v11  }
0xd1: {  	s5 =	simm.s32 $0x6;
	v7 =	vshll.u32 v7, $0x7;
	[tilespmem:s24+$0xFFFFFF90] =	vst v13;
	v9 =	vld.idx.msk [tilespmem:v9+s3+$0x0], $0xffff  }
0xd2: {  	s1 =	sand.u32 $0xE, s5;
	s4 =	simm.s32 $0x5;
	v8 =	vperm.xlane v5, v8;
	[tilespmem:s24+$0x90] =	vst v18;
	v13 =	vld.idx.msk [tilespmem:v17+s3+$0x0], $0xffff;
	v17 =	vor.u32 v0, v7  }
0xd3: {  	s4 =	sand.u32 $0xD, s4;
	v14 =	vor.u32 v3, v14;
	v18 =	vmov s1;
	[tilespmem:s24+$0xFFFFFF20] =	vst v16;
	v16 =	vld.idx.msk [tilespmem:v21+s3+$0x0], $0xffff  }
0xd4: {  	v22 =	vshll.u32 v8, $0x7;
	v11 =	vmov s4;
	v21 =	vperm.xlane v19, v18;
	v23 =	vld.idx.msk [tilespmem:v10+s3+$0x0], $0xffff  }
0xd5: {  	v25 =	vor.u32 v0, v22;
	v8 =	vperm.xlane v19, v11  }
0xd6: {  	s0 =	sand.u32 $0xC, s31;
	v12 =	vperm.xlane v5, v12;
	v6 =	vor.u32 v3, v6;
	v21 =	vshll.u32 v21, $0x7;
	[tilespmem:s24+$0x30] =	vst v9  }
0xd7: {  	s6 =	simm.s32 $0x7;
	v24 =	vmov s0;
	v26 =	vshll.u32 v8, $0x7;
	v27 =	vor.u32 v0, v21;
	[tilespmem:s24+$0xFFFFFFA0] =	vst v13;
	v13 =	vld.idx.msk [tilespmem:v17+s12+$0x0], $0xffff  }
0xd8: {  	s0 =	sand.u32 $0xF, s6;
	v12 =	vshll.u32 v12, $0x7;
	v9 =	vperm.xlane v19, v24;
	[tilespmem:s24+$0xA0] =	vst v16;
	v17 =	vor.u32 v0, v26;
	v14 =	vld.idx.msk [tilespmem:v14+s3+$0x0], $0xffff  }
0xd9: {  	v10 =	vld.idx.msk [tilespmem:v20+s14+$0x0], $0xffff;
	v8 =	vmov s0;
	v16 =	vor.u32 v0, v12;
	[tilespmem:s24+$0xFFFFFF30] =	vst v23  }
0xda: {  	v19 =	vperm.xlane v19, v8;
	v23 =	vld.idx.msk [tilespmem:v25+s12+$0x0], $0xffff;
	v25 =	vor.u32 v1, v7;
	v9 =	vshll.u32 v9, $0x7  }
0xdb: {  	v6 =	vld.idx.msk [tilespmem:v6+s3+$0x0], $0xffff;
	v20 =	vor.u32 v0, v9  }
0xdc: {  	v28 =	vor.u32 v1, v22;
	v19 =	vshll.u32 v19, $0x7;
	v27 =	vld.idx.msk [tilespmem:v27+s3+$0x0], $0xffff  }
0xdd: {  	v29 =	vor.u32 v0, v19;
	v17 =	vld.idx.msk [tilespmem:v17+s3+$0x0], $0xffff;
	[tilespmem:s24+$0xFFFFFFB0] =	vst v14  }
0xde: {  	[tilespmem:s24+$0x40] =	vst v13;
	v14 =	vld.idx.msk [tilespmem:v16+s12+$0x0], $0xffff  }
0xdf: {  	v5 =	vperm.xlane v5, v15;
	v15 =	vor.u32 v1, v21;
	[tilespmem:s24+$0xFFFFFF40] =	vst v23;
	v23 =	vld.idx.msk [tilespmem:v25+s12+$0x0], $0xffff  }
0xe0: {  	v16 =	vor.u32 v1, v12;
	v13 =	vld.idx.msk [tilespmem:v20+s3+$0x0], $0xffff  }
0xe1: {  	s23 =	simm.s32 $0x6200;
	s26 =	simm.s32 $0x8;
	v25 =	vld.idx.msk [tilespmem:v28+s12+$0x0], $0xffff;
	v20 =	vshll.u32 v5, $0x7;
	v5 =	vor.u32 v1, v9  }
0xe2: {  	s15 =	sand.u32 $0x70, s26;
	[tilespmem:s23+$0x0] =	vst v27;
	v27 =	vld.idx.msk [tilespmem:v29+s3+$0x0], $0xffff;
	v29 =	vor.u32 v2, v22  }
0xe3: {  	v30 =	vld.idx.msk [tilespmem:v4+s15+$0x0 ss:$0x1], $0xffff;
	v28 =	vor.u32 v0, v20;
	[tilespmem:s23+$0xFFFFFF80] =	vst v17  }
0xe4: {  	v15 =	vld.idx.msk [tilespmem:v15+s3+$0x0], $0xffff;
	v17 =	vor.u32 v1, v19;
	[tilespmem:s24+$0xFFFFFFC0] =	vst v14  }
0xe5: {  	v14 =	vor.u32 v1, v26;
	[tilespmem:s23+$0xFFFFFF00] =	vst v13;
	v13 =	vld.idx.msk [tilespmem:v16+s12+$0x0], $0xffff  }
0xe6: {  	[tilespmem:s24+$0xFFFFFF50] =	vst v25;
	v16 =	vor.u32 v2, v21;
	v5 =	vld.idx.msk [tilespmem:v5+s3+$0x0], $0xffff  }
0xe7: {  	[tilespmem:s24+$0xB0] =	vst v6;
	v25 =	vld.idx.msk [tilespmem:v29+s12+$0x0], $0xffff  }
0xe8: {  	v6 =	vor.u32 v2, v12;
	[tilespmem:s23+$0x80] =	vst v27;
	v28 =	vld.idx.msk [tilespmem:v28+s12+$0x0], $0xffff  }
0xe9: {  	v31 =	vor.u32 v2, v9;
	[tilespmem:s23+$0x10] =	vst v15;
	v17 =	vld.idx.msk [tilespmem:v17+s3+$0x0], $0xffff  }
0xea: {  	v15 =	vor.u32 v1, v20;
	v14 =	vld.idx.msk [tilespmem:v14+s3+$0x0], $0xffff;
	[tilespmem:s24+$0xFFFFFFD0] =	vst v13  }
0xeb: {  	v16 =	vld.idx.msk [tilespmem:v16+s3+$0x0], $0xffff;
	[tilespmem:s23+$0xFFFFFF10] =	vst v5;
	v5 =	vor.u32 v3, v22  }
0xec: {  	v21 =	vor.u32 v3, v21;
	[tilespmem:s24+$0xFFFFFF60] =	vst v25;
	v25 =	vld.idx.msk [tilespmem:v30+s13+$0x0], $0xffff  }
0xed: {  	v6 =	vld.idx.msk [tilespmem:v6+s12+$0x0], $0xffff;
	v22 =	vor.u32 v2, v26  }
0xee: {  	v27 =	vor.u32 v2, v19;
	[tilespmem:s24+$0xC0] =	vst v28;
	v13 =	vld.idx.msk [tilespmem:v31+s3+$0x0], $0xffff  }
0xef: {  	v12 =	vor.u32 v3, v12;
	v15 =	vld.idx.msk [tilespmem:v15+s12+$0x0], $0xffff  }
0xf0: {  	v28 =	vor.u32 v3, v9;
	v9 =	vperm.xlane v10, v18;
	[tilespmem:s23+$0x20] =	vst v16;
	v18 =	vld.idx.msk [tilespmem:v5+s12+$0x0], $0xffff  }
0xf1: {  	[tilespmem:s23+$0xFFFFFF90] =	vst v14;
	v16 =	vor.u32 v2, v20;
	v14 =	vld.idx.msk [tilespmem:v21+s3+$0x0], $0xffff  }
0xf2: {  	s22 =	simm.s32 $0xA;
	[tilespmem:s23+$0x90] =	vst v17;
	v21 =	vld.idx.msk [tilespmem:v22+s3+$0x0], $0xffff;
	v5 =	vshll.u32 v9, $0x7;
	v22 =	vor.u32 v2, v7  }
0xf3: {  	s0 =	sand.u32 $0xE, s22;
	[tilespmem:s24+$0xFFFFFFE0] =	vst v6;
	v6 =	vperm.xlane v10, v24;
	v24 =	vld.idx.msk [tilespmem:v27+s3+$0x0], $0xffff;
	v29 =	vor.u32 v0, v5  }
0xf4: {  	s25 =	simm.s32 $0x9;
	v17 =	vor.u32 v3, v26;
	v9 =	vmov s0;
	v12 =	vld.idx.msk [tilespmem:v12+s12+$0x0], $0xffff;
	[tilespmem:s23+$0xFFFFFF20] =	vst v13  }
0xf5: {  	s29 =	sand.u32 $0xD, s25;
	v19 =	vor.u32 v3, v19;
	[tilespmem:s24+$0xD0] =	vst v15;
	v13 =	vperm.xlane v25, v9;
	v15 =	vld.idx.msk [tilespmem:v28+s3+$0x0], $0xffff  }
0xf6: {  	[tilespmem:s24+$0x50] =	vst v23;
	v26 =	vmov s29;
	v6 =	vshll.u32 v6, $0x7;
	v23 =	vld.idx.msk [tilespmem:v16+s12+$0x0], $0xffff  }
0xf7: {  	v13 =	vshll.u32 v13, $0x7;
	v27 =	vor.u32 v0, v6;
	v16 =	vperm.xlane v25, v26;
	[tilespmem:s23+$0x30] =	vst v14;
	v22 =	vld.idx.msk [tilespmem:v22+s12+$0x0], $0xffff  }
0xf8: {  	s30 =	sand.u32 $0xC, s26;
	v31 =	vor.u32 v0, v13;
	v14 =	vperm.xlane v10, v11;
	[tilespmem:s23+$0xFFFFFFA0] =	vst v21;
	v21 =	vld.idx.msk [tilespmem:v29+s12+$0x0], $0xffff  }
0xf9: {  	v32 =	vor.u32 v3, v7;
	v28 =	vmov s30;
	[tilespmem:s23+$0xA0] =	vst v24;
	v11 =	vshll.u32 v16, $0x7;
	v17 =	vld.idx.msk [tilespmem:v17+s3+$0x0], $0xffff  }
0xfa: {  	s31 =	simm.s32 $0xB;
	v29 =	vperm.xlane v25, v28;
	v24 =	vld.idx.msk [tilespmem:v19+s3+$0x0], $0xffff;
	v7 =	vshll.u32 v14, $0x7;
	v33 =	vor.u32 v0, v11  }
0xfb: {  	s0 =	sand.u32 $0xF, s31;
	v14 =	vld.idx.msk [tilespmem:v30+s14+$0x0], $0xffff;
	[tilespmem:s23+$0xFFFFFF30] =	vst v15;
	v15 =	vor.u32 v0, v7  }
0xfc: {  	[tilespmem:s24+$0xFFFFFF70] =	vst v18;
	v30 =	vor.u32 v1, v5;
	v16 =	vshll.u32 v29, $0x7;
	v29 =	vmov s0;
	v19 =	vld.idx.msk [tilespmem:v27+s12+$0x0], $0xffff  }
0xfd: {  	v18 =	vor.u32 v0, v16;
	v25 =	vperm.xlane v25, v29;
	v27 =	vld.idx.msk [tilespmem:v31+s3+$0x0], $0xffff;
	[tilespmem:s24+$0x60] =	vst v22  }
0xfe: {  	[tilespmem:s24+$0xFFFFFFF0] =	vst v12;
	v22 =	vor.u32 v3, v20;
	v31 =	vld.idx.msk [tilespmem:v32+s12+$0x0], $0xffff  }
0xff: {  	v12 =	vshll.u32 v25, $0x7;
	v25 =	vor.u32 v1, v6;
	[tilespmem:s23+$0xFFFFFFB0] =	vst v17;
	v20 =	vld.idx.msk [tilespmem:v33+s3+$0x0], $0xffff  }
0x100: {  	v8 =	vperm.xlane v10, v8;
	v34 =	vor.u32 v1, v13;
	[tilespmem:s23+$0x40] =	vst v21;
	v62 =	vld.idx.msk [tilespmem:v15+s12+$0x0], $0xffff  }
0x101: {  	v35 =	vor.u32 v1, v7;
	[tilespmem:s24+$0xE0] =	vst v23;
	v17 =	vor.u32 v0, v12;
	v15 =	vld.idx.msk [tilespmem:v30+s12+$0x0], $0xffff  }
0x102: {  	[tilespmem:s23+$0xB0] =	vst v24;
	v10 =	vperm.xlane v14, v28;
	v28 =	vperm.xlane v14, v29;
	v63 =	vld.idx.msk [tilespmem:v18+s3+$0x0], $0xffff  }
0x103: {  	s25 =	simm.s32 $0x6400;
	v8 =	vshll.u32 v8, $0x7;
	v26 =	vperm.xlane v14, v26;
	v29 =	vor.u32 v1, v16;
	[tilespmem:s23+$0xFFFFFF40] =	vst v19;
	v23 =	vld.idx.msk [tilespmem:v22+s12+$0x0], $0xffff  }
0x104: {  	[tilespmem:s25+$0x0] =	vst v27;
	v18 =	vshll.u32 v10, $0x7;
	v10 =	vshll.u32 v28, $0x7;
	v28 =	vor.u32 v0, v8;
	v24 =	vld.idx.msk [tilespmem:v25+s12+$0x0], $0xffff  }
0x105: {  	[tilespmem:s24+$0x70] =	vst v31;
	v25 =	vld.idx.msk [tilespmem:v34+s3+$0x0], $0xffff  }
0x106: {  	v22 =	vld.idx.msk [tilespmem:v17+s3+$0x0], $0xffff;
	v17 =	vshll.u32 v26, $0x7;
	v26 =	vor.u32 v2, v6;
	[tilespmem:s23+$0xFFFFFFC0] =	vst v62  }
0x107: {  	s28 =	sshll.u32 s21, $0x1;
	s22 =	sshllo.u32 s21, $0x1;
	v21 =	vor.u32 v1, v11;
	v19 =	vor.u32 v2, v13;
	[tilespmem:s25+$0xFFFFFF00] =	vst v63;
	v27 =	vld.idx.msk [tilespmem:v35+s12+$0x0], $0xffff  }
.LBB2_5:
0x108: {  	v29 =	vld.idx.msk [tilespmem:v29+s3+$0x0], $0xffff;
	[tilespmem:s25+$0xFFFFFF80] =	vst v20;
	s0 =	smov.u32 s26;
	s26 =	sadd.s32 $0x4, s26  }
0x109: {  	v20 =	vor.u32 v2, v7;
	s1 =	sand.u32 $0x70, s26;
	s4 =	sand.u32 $0xC, s26;
	p1 =	slt.u32 s26, $0x7C;
	v28 =	vld.idx.msk [tilespmem:v28+s12+$0x0], $0xffff;
	[tilespmem:s24+$0xF0] =	vst v23  }
0x10a: {  	v30 =	vor.u32 v2, v16;
	s24 =	smov.u32 s23;
	v23 =	vld.idx.msk [tilespmem:v4+s1+$0x0 ss:$0x1], $0xffff;
	[tilespmem:s23+$0xFFFFFF50] =	vst v24;
	s23 =	smov.u32 s25  }
0x10b: {  	v24 =	vor.u32 v1, v12;
	v26 =	vld.idx.msk [tilespmem:v26+s12+$0x0], $0xffff  }
0x10c: {  	v21 =	vld.idx.msk [tilespmem:v21+s3+$0x0], $0xffff;
	[tilespmem:s25+$0x10] =	vst v25;
	v25 =	vor.u32 v1, v8  }
0x10d: {  	v19 =	vld.idx.msk [tilespmem:v19+s3+$0x0], $0xffff;
	[tilespmem:s24+$0xFFFFFFD0] =	vst v27  }
0x10e: {  	v27 =	vor.u32 v3, v6;
	v6 =	vmov v18;
	[tilespmem:s25+$0xFFFFFF10] =	vst v29;
	v20 =	vld.idx.msk [tilespmem:v20+s12+$0x0], $0xffff  }
0x10f: {  	v13 =	vor.u32 v3, v13;
	v18 =	vld.idx.msk [tilespmem:v30+s3+$0x0], $0xffff;
	[tilespmem:s25+$0x80] =	vst v22  }
0x110: {  	v22 =	vor.u32 v2, v11;
	v24 =	vld.idx.msk [tilespmem:v24+s3+$0x0], $0xffff;
	[tilespmem:s24+$0xC0] =	vst v28  }
0x111: {  	[tilespmem:s24+$0xFFFFFF60] =	vst v26;
	v26 =	vor.u32 v3, v7;
	v25 =	vld.idx.msk [tilespmem:v25+s12+$0x0], $0xffff;
	v7 =	vmov v17  }
0x112: {  	v17 =	vld.idx.msk [tilespmem:v23+s13+$0x0], $0xffff;
	[tilespmem:s25+$0xFFFFFF90] =	vst v21;
	v21 =	vor.u32 v2, v12  }
0x113: {  	v16 =	vor.u32 v3, v16;
	v9 =	vperm.xlane v14, v9;
	[tilespmem:s25+$0x20] =	vst v19;
	v14 =	vld.idx.msk [tilespmem:v27+s12+$0x0], $0xffff  }
0x114: {  	v19 =	vld.idx.msk [tilespmem:v13+s3+$0x0], $0xffff;
	[tilespmem:s24+$0xFFFFFFE0] =	vst v20;
	v13 =	vor.u32 v2, v8  }
0x115: {  	s5 =	sadd.s32 $0x6, s0;
	s1 =	sadd.s32 $0x5, s0;
	v20 =	vshll.u32 v9, $0x7;
	[tilespmem:s25+$0xFFFFFF20] =	vst v18;
	v18 =	vld.idx.msk [tilespmem:v22+s3+$0x0], $0xffff;
	v22 =	vor.u32 v2, v5  }
0x116: {  	s0 =	sadd.s32 $0x7, s0;
	s1 =	sand.u32 $0xD, s1;
	v27 =	vmov s4;
	s4 =	sand.u32 $0xE, s5;
	v28 =	vor.u32 v0, v20;
	[tilespmem:s25+$0x90] =	vst v24;
	v24 =	vor.u32 v3, v12;
	v26 =	vld.idx.msk [tilespmem:v26+s12+$0x0], $0xffff  }
0x117: {  	s0 =	sand.u32 $0xF, s0;
	v29 =	vmov s1;
	v30 =	vor.u32 v3, v11;
	v9 =	vmov s4;
	v21 =	vld.idx.msk [tilespmem:v21+s3+$0x0], $0xffff;
	[tilespmem:s24+$0xD0] =	vst v25  }
0x118: {  	v11 =	vperm.xlane v17, v29;
	v12 =	vperm.xlane v17, v9;
	v25 =	vmov s0;
	v31 =	vld.idx.msk [tilespmem:v16+s3+$0x0], $0xffff;
	[tilespmem:s24+$0x50] =	vst v15  }
0x119: {  	v15 =	vperm.xlane v17, v27;
	v16 =	vperm.xlane v17, v25;
	[tilespmem:s24+$0xFFFFFF70] =	vst v14;
	v17 =	vld.idx.msk [tilespmem:v13+s12+$0x0], $0xffff  }
0x11a: {  	v33 =	vor.u32 v3, v5;
	v32 =	vor.u32 v0, v6;
	v13 =	vshll.u32 v12, $0x7;
	[tilespmem:s25+$0x30] =	vst v19;
	v22 =	vld.idx.msk [tilespmem:v22+s12+$0x0], $0xffff  }
0x11b: {  	v5 =	vmovc v20;
	v11 =	vshll.u32 v11, $0x7;
	v34 =	vor.u32 v0, v13;
	v12 =	vshll.u32 v16, $0x7;
	[tilespmem:s25+$0xFFFFFFA0] =	vst v18;
	v18 =	vld.idx.msk [tilespmem:v28+s12+$0x0], $0xffff  }
0x11c: {  	v20 =	vor.u32 v0, v11;
	v35 =	vor.u32 v0, v12;
	v28 =	vld.idx.msk [tilespmem:v30+s3+$0x0], $0xffff;
	[tilespmem:s24+$0xFFFFFFF0] =	vst v26  }
0x11d: {  	v19 =	vor.u32 v2, v13;
	v14 =	vld.idx.msk [tilespmem:v23+s14+$0x0], $0xffff;
	[tilespmem:s25+$0xA0] =	vst v21  }
0x11e: {  	v16 =	vshll.u32 v15, $0x7;
	v15 =	vor.u32 v0, v7;
	[tilespmem:s25+$0xFFFFFF30] =	vst v31;
	v23 =	vld.idx.msk [tilespmem:v24+s3+$0x0], $0xffff  }
0x11f: {  	v24 =	vor.u32 v0, v16;
	v26 =	vld.idx.msk [tilespmem:v32+s12+$0x0], $0xffff;
	[tilespmem:s24+$0xE0] =	vst v17  }
0x120: {  	v31 =	vor.u32 v1, v5;
	v30 =	vld.idx.msk [tilespmem:v34+s3+$0x0], $0xffff;
	[tilespmem:s24+$0x60] =	vst v22;
	v22 =	vor.u32 v3, v8;
	v8 =	vmov v10  }
0x121: {  	[tilespmem:s25+$0x40] =	vst v18;
	v32 =	vld.idx.msk [tilespmem:v33+s12+$0x0], $0xffff  }
0x122: {  	v33 =	vor.u32 v1, v6;
	v20 =	vld.idx.msk [tilespmem:v20+s3+$0x0], $0xffff;
	[tilespmem:s25+$0xFFFFFFB0] =	vst v28  }
0x123: {  	v21 =	vor.u32 v1, v11;
	v10 =	vperm.xlane v14, v27;
	v17 =	vperm.xlane v14, v29;
	v27 =	vld.idx.msk [tilespmem:v15+s12+$0x0], $0xffff  }
0x124: {  	v36 =	vor.u32 v1, v13;
	v34 =	vld.idx.msk [tilespmem:v24+s3+$0x0], $0xffff;
	v24 =	vperm.xlane v14, v25  }
0x125: {  	v37 =	vor.u32 v1, v7;
	s25 =	sadd.s32 $0x200, s25;
	v18 =	vshll.u32 v10, $0x7;
	v17 =	vshll.u32 v17, $0x7;
	[tilespmem:s23+$0xFFFFFF40] =	vst v26;
	v15 =	vld.idx.msk [tilespmem:v31+s12+$0x0], $0xffff  }
.Ltmp1:
0x126: {  	v29 =	vor.u32 v1, v16;
	v10 =	vshll.u32 v24, $0x7;
	[tilespmem:s23+$0xB0] =	vst v23;
	v23 =	vld.idx.msk [tilespmem:v22+s12+$0x0], $0xffff;
	(pc) =	sbr.rel @p1 .LBB2_5-.Ltmp1, $4  }
0x127: {  	v28 =	vor.u32 v0, v8;
	v24 =	vld.idx.msk [tilespmem:v33+s12+$0x0], $0xffff;
	[tilespmem:s24+$0x70] =	vst v32  }
0x128: {  	[tilespmem:s25+$0x0] =	vst v30;
	v22 =	vld.idx.msk [tilespmem:v35+s3+$0x0], $0xffff  }
0x129: {  	v26 =	vor.u32 v2, v6;
	v25 =	vld.idx.msk [tilespmem:v36+s3+$0x0], $0xffff;
	[tilespmem:s23+$0xFFFFFFC0] =	vst v27  }
0x12a: {  	[tilespmem:s25+$0xFFFFFF00] =	vst v34;
	v27 =	vld.idx.msk [tilespmem:v37+s12+$0x0], $0xffff  }
0x12b: {  	_ =	sdelay $0x1  }
0x12c: {  	v4 =	vor.u32 v1, v12;
	_ =	sdelay $0x1  }
0x12d: {  	v29 =	vld.idx.msk [tilespmem:v29+s3+$0x0], $0xffff;
	[tilespmem:s25+$0xFFFFFF80] =	vst v20  }
0x12e: {  	v20 =	vor.u32 v2, v16;
	v21 =	vld.idx.msk [tilespmem:v21+s3+$0x0], $0xffff  }
0x12f: {  	[tilespmem:s25+$0x80] =	vst v22;
	v22 =	vor.u32 v2, v11  }
0x130: {  	[tilespmem:s24+$0xF0] =	vst v23;
	v4 =	vld.idx.msk [tilespmem:v4+s3+$0x0], $0xffff  }
0x131: {  	v23 =	vor.u32 v2, v12;
	[tilespmem:s23+$0xFFFFFF50] =	vst v24  }
0x132: {  	v24 =	vld.idx.msk [tilespmem:v28+s12+$0x0], $0xffff;
	[tilespmem:s25+$0xFFFFFF10] =	vst v29  }
0x133: {  	v28 =	vor.u32 v2, v7;
	v20 =	vld.idx.msk [tilespmem:v20+s3+$0x0], $0xffff;
	[tilespmem:s25+$0xFFFFFF90] =	vst v21  }
0x134: {  	v16 =	vor.u32 v3, v16;
	[tilespmem:s25+$0x10] =	vst v25;
	v21 =	vld.idx.msk [tilespmem:v22+s3+$0x0], $0xffff  }
0x135: {  	v19 =	vld.idx.msk [tilespmem:v19+s3+$0x0], $0xffff;
	[tilespmem:s25+$0x90] =	vst v4;
	v4 =	vor.u32 v3, v11  }
0x136: {  	[tilespmem:s23+$0xFFFFFFD0] =	vst v27;
	v11 =	vor.u32 v3, v13;
	v13 =	vld.idx.msk [tilespmem:v23+s3+$0x0], $0xffff  }
0x137: {  	v12 =	vor.u32 v3, v12;
	[tilespmem:s23+$0xC0] =	vst v24  }
0x138: {  	v24 =	vld.idx.msk [tilespmem:v28+s12+$0x0], $0xffff;
	[tilespmem:s25+$0xFFFFFF20] =	vst v20  }
0x139: {  	v9 =	vperm.xlane v14, v9;
	v23 =	vor.u32 v1, v8;
	v14 =	vld.idx.msk [tilespmem:v16+s3+$0x0], $0xffff;
	[tilespmem:s25+$0xFFFFFFA0] =	vst v21  }
0x13a: {  	[tilespmem:s25+$0x20] =	vst v19;
	v16 =	vor.u32 v0, v18;
	v4 =	vld.idx.msk [tilespmem:v4+s3+$0x0], $0xffff  }
0x13b: {  	v9 =	vshll.u32 v9, $0x7;
	v11 =	vld.idx.msk [tilespmem:v11+s3+$0x0], $0xffff;
	[tilespmem:s25+$0xA0] =	vst v13;
	v13 =	vor.u32 v0, v17  }
0x13c: {  	[tilespmem:s23+$0x50] =	vst v15;
	v19 =	vor.u32 v0, v9;
	v12 =	vld.idx.msk [tilespmem:v12+s3+$0x0], $0xffff  }
0x13d: {  	v22 =	vld.idx.msk [tilespmem:v26+s12+$0x0], $0xffff;
	[tilespmem:s23+$0xFFFFFFE0] =	vst v24;
	v21 =	vor.u32 v0, v10  }
0x13e: {  	v6 =	vor.u32 v3, v6;
	v20 =	vld.idx.msk [tilespmem:v23+s12+$0x0], $0xffff;
	[tilespmem:s25+$0xFFFFFF30] =	vst v14  }
0x13f: {  	v7 =	vor.u32 v3, v7;
	v14 =	vld.idx.msk [tilespmem:v16+s12+$0x0], $0xffff;
	[tilespmem:s25+$0xFFFFFFB0] =	vst v4  }
0x140: {  	[tilespmem:s25+$0x30] =	vst v11;
	v4 =	vor.u32 v1, v18;
	v11 =	vld.idx.msk [tilespmem:v13+s12+$0x0], $0xffff  }
0x141: {  	v16 =	vor.u32 v1, v17;
	v13 =	vld.idx.msk [tilespmem:v19+s12+$0x0], $0xffff;
	[tilespmem:s25+$0xB0] =	vst v12  }
0x142: {  	[tilespmem:s23+$0xFFFFFF60] =	vst v22;
	v12 =	vor.u32 v1, v9;
	v19 =	vld.idx.msk [tilespmem:v21+s12+$0x0], $0xffff  }
0x143: {  	v15 =	vor.u32 v1, v10;
	v6 =	vld.idx.msk [tilespmem:v6+s12+$0x0], $0xffff;
	[tilespmem:s23+$0xD0] =	vst v20  }
0x144: {  	v7 =	vld.idx.msk [tilespmem:v7+s12+$0x0], $0xffff;
	v20 =	vor.u32 v2, v5;
	[tilespmem:s25+$0xFFFFFF40] =	vst v14  }
0x145: {  	v14 =	vor.u32 v2, v8;
	v4 =	vld.idx.msk [tilespmem:v4+s12+$0x0], $0xffff;
	[tilespmem:s25+$0xFFFFFFC0] =	vst v11  }
0x146: {  	[tilespmem:s25+$0x40] =	vst v13;
	v11 =	vor.u32 v2, v18;
	v13 =	vld.idx.msk [tilespmem:v16+s12+$0x0], $0xffff  }
0x147: {  	v12 =	vld.idx.msk [tilespmem:v12+s12+$0x0], $0xffff;
	v16 =	vor.u32 v2, v17;
	[tilespmem:s25+$0xC0] =	vst v19  }
0x148: {  	[tilespmem:s23+$0xFFFFFF70] =	vst v6;
	v6 =	vld.idx.msk [tilespmem:v15+s12+$0x0], $0xffff;
	v15 =	vor.u32 v2, v9  }
0x149: {  	[tilespmem:s23+$0xFFFFFFF0] =	vst v7;
	v7 =	vor.u32 v2, v10;
	v19 =	vld.idx.msk [tilespmem:v20+s12+$0x0], $0xffff  }
0x14a: {  	v5 =	vor.u32 v3, v5;
	v14 =	vld.idx.msk [tilespmem:v14+s12+$0x0], $0xffff;
	[tilespmem:s25+$0xFFFFFF50] =	vst v4  }
0x14b: {  	v4 =	vor.u32 v3, v8;
	v8 =	vld.idx.msk [tilespmem:v11+s12+$0x0], $0xffff;
	[tilespmem:s25+$0xFFFFFFD0] =	vst v13  }
0x14c: {  	v11 =	vor.u32 v3, v18;
	[tilespmem:s25+$0x50] =	vst v12;
	v13 =	vld.idx.msk [tilespmem:v16+s12+$0x0], $0xffff  }
0x14d: {  	v12 =	vor.u32 v3, v17;
	[tilespmem:s25+$0xD0] =	vst v6;
	v6 =	vld.idx.msk [tilespmem:v15+s12+$0x0], $0xffff  }
0x14e: {  	v9 =	vor.u32 v3, v9;
	[tilespmem:s23+$0x60] =	vst v19;
	v7 =	vld.idx.msk [tilespmem:v7+s12+$0x0], $0xffff  }
0x14f: {  	v10 =	vor.u32 v3, v10;
	[tilespmem:s23+$0xE0] =	vst v14;
	v5 =	vld.idx.msk [tilespmem:v5+s12+$0x0], $0xffff  }
0x150: {  	v4 =	vld.idx.msk [tilespmem:v4+s12+$0x0], $0xffff;
	[tilespmem:s25+$0xFFFFFF60] =	vst v8  }
0x151: {  	v8 =	vld.idx.msk [tilespmem:v11+s12+$0x0], $0xffff;
	[tilespmem:s25+$0xFFFFFFE0] =	vst v13  }
0x152: {  	v11 =	vld.idx.msk [tilespmem:v12+s12+$0x0], $0xffff;
	[tilespmem:s25+$0x60] =	vst v6  }
0x153: {  	[tilespmem:s25+$0xE0] =	vst v7;
	v6 =	vld.idx.msk [tilespmem:v9+s12+$0x0], $0xffff  }
0x154: {  	[tilespmem:s23+$0x70] =	vst v5;
	v5 =	vld.idx.msk [tilespmem:v10+s12+$0x0], $0xffff  }
0x155: {  	[tilespmem:s23+$0xF0] =	vst v4  }
0x156: {  	[tilespmem:s25+$0xFFFFFF70] =	vst v8  }
0x157: {  	s0 =	sadd.s32 s9, s28;
	s1 =	sshll.u32 s22, $0x7;
	[tilespmem:s25+$0xFFFFFFF0] =	vst v11  }
0x158: {  	s0 =	sshll.u32 s0, $0xB;
	s1 =	sand.u32 $0x3FFFFF80, s1;
	[tilespmem:s25+$0x70] =	vst v6  }
0x159: {  	s0 =	sadd.s32 s2, s0;
	s1 =	sadd.s32 $0x4600, s1;
	[tilespmem:s25+$0xF0] =	vst v5  }
0x15a: {  	v4 =	vmov s1;
	[hbm4b:s0+s3] =	stream.linear.scatter [tilespmem:s16], [sflag:$0x1], $0x4000, $0x38;
	[tilespmem:$0xDF00] =	vst v63  }
0x15b: {  	s0 =	simm.s32 @!p0 $0x2  }
0x15c: {  	_ =	swait.ge @!p0 [sflag:s0], $0x4000  }
0x15d: {  	s25 =	simm.s32 $0x0;
	[sflag:s0] =	ssyncset.done @!p0 $0x0  }
0x15e: {  	s26 =	sand.u32 $0x70, s25;
	[sflag:s0] =	ssyncadd.s32 @!p0 $0xFFFFC000  }
0x15f: {  	v5 =	vld.idx.msk [tilespmem:v4+s26+$0x0 ss:$0x1], $0xffff;
	_ =	sdelay $0x7  }
0x160: {  	v6 =	vld.idx.msk [tilespmem:v5+s13+$0x0], $0xffff;
	_ =	sdelay $0x1  }
0x161: {  	s28 =	simm.s32 $0x2  }
0x162: {  	s0 =	sand.u32 $0xE, s28  }
0x163: {  	v7 =	vmov s0  }
0x164: {  	s1 =	sand.u32 $0xC, s25;
	v9 =	vperm.xlane v6, v7  }
0x165: {  	v8 =	vmov s1  }
0x166: {  	s29 =	simm.s32 $0x1;
	v10 =	vperm.xlane v6, v8;
	v9 =	vshll.u32 v9, $0x7  }
0x167: {  	s0 =	sand.u32 $0xD, s29;
	v11 =	vor.u32 v0, v9  }
0x168: {  	s30 =	simm.s32 $0x3;
	v12 =	vmov s0;
	v10 =	vshll.u32 v10, $0x7  }
0x169: {  	s0 =	sand.u32 $0xF, s30;
	v14 =	vperm.xlane v6, v12;
	v13 =	vor.u32 v0, v10  }
0x16a: {  	v15 =	vmov s0  }
0x16b: {  	v6 =	vperm.xlane v6, v15;
	v14 =	vshll.u32 v14, $0x7  }
0x16c: {  	v16 =	vor.u32 v0, v14;
	v11 =	vld.idx.msk [tilespmem:v11+s3+$0x0], $0xffff  }
0x16d: {  	s31 =	simm.s32 $0x4;
	v6 =	vshll.u32 v6, $0x7;
	v17 =	vor.u32 v1, v9  }
0x16e: {  	s4 =	sand.u32 $0x70, s31;
	v19 =	vor.u32 v0, v6;
	v13 =	vld.idx.msk [tilespmem:v13+s3+$0x0], $0xffff  }
0x16f: {  	v20 =	vld.idx.msk [tilespmem:v4+s4+$0x0 ss:$0x1], $0xffff;
	v18 =	vor.u32 v1, v10  }
0x170: {  	s24 =	simm.s32 $0xA000;
	v5 =	vld.idx.msk [tilespmem:v5+s14+$0x0], $0xffff  }
0x171: {  	v16 =	vld.idx.msk [tilespmem:v16+s3+$0x0], $0xffff;
	[tilespmem:s24+$0x0] =	vst v11  }
0x172: {  	v11 =	vld.idx.msk [tilespmem:v17+s3+$0x0], $0xffff  }
0x173: {  	v19 =	vld.idx.msk [tilespmem:v19+s3+$0x0], $0xffff;
	[tilespmem:s24+$0xFFFFFF00] =	vst v13;
	v13 =	vor.u32 v2, v9  }
0x174: {  	v17 =	vld.idx.msk [tilespmem:v18+s3+$0x0], $0xffff;
	v18 =	vor.u32 v1, v14  }
0x175: {  	v22 =	vor.u32 v1, v6  }
0x176: {  	v21 =	vor.u32 v2, v10  }
0x177: {  	[tilespmem:s24+$0x10] =	vst v11  }
0x178: {  	[tilespmem:s24+$0xFFFFFF80] =	vst v16;
	v11 =	vld.idx.msk [tilespmem:v13+s3+$0x0], $0xffff  }
0x179: {  	v9 =	vor.u32 v3, v9;
	[tilespmem:s24+$0x80] =	vst v19;
	v13 =	vld.idx.msk [tilespmem:v18+s3+$0x0], $0xffff  }
0x17a: {  	[tilespmem:s24+$0xFFFFFF10] =	vst v17;
	v17 =	vor.u32 v2, v14;
	v18 =	vld.idx.msk [tilespmem:v22+s3+$0x0], $0xffff  }
0x17b: {  	v16 =	vld.idx.msk [tilespmem:v21+s3+$0x0], $0xffff;
	v21 =	vor.u32 v2, v6  }
0x17c: {  	v7 =	vperm.xlane v5, v7;
	v10 =	vor.u32 v3, v10;
	v19 =	vld.idx.msk [tilespmem:v20+s13+$0x0], $0xffff  }
0x17d: {  	[tilespmem:s24+$0x20] =	vst v11  }
0x17e: {  	s5 =	simm.s32 $0x6;
	v7 =	vshll.u32 v7, $0x7;
	[tilespmem:s24+$0xFFFFFF90] =	vst v13;
	v9 =	vld.idx.msk [tilespmem:v9+s3+$0x0], $0xffff  }
0x17f: {  	s1 =	sand.u32 $0xE, s5;
	s4 =	simm.s32 $0x5;
	v8 =	vperm.xlane v5, v8;
	[tilespmem:s24+$0x90] =	vst v18;
	v13 =	vld.idx.msk [tilespmem:v17+s3+$0x0], $0xffff;
	v17 =	vor.u32 v0, v7  }
0x180: {  	s4 =	sand.u32 $0xD, s4;
	v14 =	vor.u32 v3, v14;
	v18 =	vmov s1;
	[tilespmem:s24+$0xFFFFFF20] =	vst v16;
	v16 =	vld.idx.msk [tilespmem:v21+s3+$0x0], $0xffff  }
0x181: {  	v22 =	vshll.u32 v8, $0x7;
	v11 =	vmov s4;
	v21 =	vperm.xlane v19, v18;
	v23 =	vld.idx.msk [tilespmem:v10+s3+$0x0], $0xffff  }
0x182: {  	v25 =	vor.u32 v0, v22;
	v8 =	vperm.xlane v19, v11  }
0x183: {  	s0 =	sand.u32 $0xC, s31;
	v12 =	vperm.xlane v5, v12;
	v6 =	vor.u32 v3, v6;
	v21 =	vshll.u32 v21, $0x7;
	[tilespmem:s24+$0x30] =	vst v9  }
0x184: {  	s6 =	simm.s32 $0x7;
	v24 =	vmov s0;
	v26 =	vshll.u32 v8, $0x7;
	v27 =	vor.u32 v0, v21;
	[tilespmem:s24+$0xFFFFFFA0] =	vst v13;
	v13 =	vld.idx.msk [tilespmem:v17+s12+$0x0], $0xffff  }
0x185: {  	s0 =	sand.u32 $0xF, s6;
	v12 =	vshll.u32 v12, $0x7;
	v9 =	vperm.xlane v19, v24;
	[tilespmem:s24+$0xA0] =	vst v16;
	v17 =	vor.u32 v0, v26;
	v14 =	vld.idx.msk [tilespmem:v14+s3+$0x0], $0xffff  }
0x186: {  	v10 =	vld.idx.msk [tilespmem:v20+s14+$0x0], $0xffff;
	v8 =	vmov s0;
	v16 =	vor.u32 v0, v12;
	[tilespmem:s24+$0xFFFFFF30] =	vst v23  }
0x187: {  	v19 =	vperm.xlane v19, v8;
	v23 =	vld.idx.msk [tilespmem:v25+s12+$0x0], $0xffff;
	v25 =	vor.u32 v1, v7;
	v9 =	vshll.u32 v9, $0x7  }
0x188: {  	v6 =	vld.idx.msk [tilespmem:v6+s3+$0x0], $0xffff;
	v20 =	vor.u32 v0, v9  }
0x189: {  	v28 =	vor.u32 v1, v22;
	v19 =	vshll.u32 v19, $0x7;
	v27 =	vld.idx.msk [tilespmem:v27+s3+$0x0], $0xffff  }
0x18a: {  	v29 =	vor.u32 v0, v19;
	v17 =	vld.idx.msk [tilespmem:v17+s3+$0x0], $0xffff;
	[tilespmem:s24+$0xFFFFFFB0] =	vst v14  }
0x18b: {  	[tilespmem:s24+$0x40] =	vst v13;
	v14 =	vld.idx.msk [tilespmem:v16+s12+$0x0], $0xffff  }
0x18c: {  	v5 =	vperm.xlane v5, v15;
	v15 =	vor.u32 v1, v21;
	[tilespmem:s24+$0xFFFFFF40] =	vst v23;
	v23 =	vld.idx.msk [tilespmem:v25+s12+$0x0], $0xffff  }
0x18d: {  	v16 =	vor.u32 v1, v12;
	v13 =	vld.idx.msk [tilespmem:v20+s3+$0x0], $0xffff  }
0x18e: {  	s23 =	simm.s32 $0xA200;
	s26 =	simm.s32 $0x8;
	v25 =	vld.idx.msk [tilespmem:v28+s12+$0x0], $0xffff;
	v20 =	vshll.u32 v5, $0x7;
	v5 =	vor.u32 v1, v9  }
0x18f: {  	s15 =	sand.u32 $0x70, s26;
	[tilespmem:s23+$0x0] =	vst v27;
	v27 =	vld.idx.msk [tilespmem:v29+s3+$0x0], $0xffff;
	v29 =	vor.u32 v2, v22  }
0x190: {  	v30 =	vld.idx.msk [tilespmem:v4+s15+$0x0 ss:$0x1], $0xffff;
	v28 =	vor.u32 v0, v20;
	[tilespmem:s23+$0xFFFFFF80] =	vst v17  }
0x191: {  	v15 =	vld.idx.msk [tilespmem:v15+s3+$0x0], $0xffff;
	v17 =	vor.u32 v1, v19;
	[tilespmem:s24+$0xFFFFFFC0] =	vst v14  }
0x192: {  	v14 =	vor.u32 v1, v26;
	[tilespmem:s23+$0xFFFFFF00] =	vst v13;
	v13 =	vld.idx.msk [tilespmem:v16+s12+$0x0], $0xffff  }
0x193: {  	[tilespmem:s24+$0xFFFFFF50] =	vst v25;
	v16 =	vor.u32 v2, v21;
	v5 =	vld.idx.msk [tilespmem:v5+s3+$0x0], $0xffff  }
0x194: {  	[tilespmem:s24+$0xB0] =	vst v6;
	v25 =	vld.idx.msk [tilespmem:v29+s12+$0x0], $0xffff  }
0x195: {  	v6 =	vor.u32 v2, v12;
	[tilespmem:s23+$0x80] =	vst v27;
	v28 =	vld.idx.msk [tilespmem:v28+s12+$0x0], $0xffff  }
0x196: {  	v31 =	vor.u32 v2, v9;
	[tilespmem:s23+$0x10] =	vst v15;
	v17 =	vld.idx.msk [tilespmem:v17+s3+$0x0], $0xffff  }
0x197: {  	v15 =	vor.u32 v1, v20;
	v14 =	vld.idx.msk [tilespmem:v14+s3+$0x0], $0xffff;
	[tilespmem:s24+$0xFFFFFFD0] =	vst v13  }
0x198: {  	v16 =	vld.idx.msk [tilespmem:v16+s3+$0x0], $0xffff;
	[tilespmem:s23+$0xFFFFFF10] =	vst v5;
	v5 =	vor.u32 v3, v22  }
0x199: {  	v21 =	vor.u32 v3, v21;
	[tilespmem:s24+$0xFFFFFF60] =	vst v25;
	v25 =	vld.idx.msk [tilespmem:v30+s13+$0x0], $0xffff  }
0x19a: {  	v6 =	vld.idx.msk [tilespmem:v6+s12+$0x0], $0xffff;
	v22 =	vor.u32 v2, v26  }
0x19b: {  	v27 =	vor.u32 v2, v19;
	[tilespmem:s24+$0xC0] =	vst v28;
	v13 =	vld.idx.msk [tilespmem:v31+s3+$0x0], $0xffff  }
0x19c: {  	v12 =	vor.u32 v3, v12;
	v15 =	vld.idx.msk [tilespmem:v15+s12+$0x0], $0xffff  }
0x19d: {  	v28 =	vor.u32 v3, v9;
	v9 =	vperm.xlane v10, v18;
	[tilespmem:s23+$0x20] =	vst v16;
	v18 =	vld.idx.msk [tilespmem:v5+s12+$0x0], $0xffff  }
0x19e: {  	[tilespmem:s23+$0xFFFFFF90] =	vst v14;
	v16 =	vor.u32 v2, v20;
	v14 =	vld.idx.msk [tilespmem:v21+s3+$0x0], $0xffff  }
0x19f: {  	s25 =	simm.s32 $0xA;
	[tilespmem:s23+$0x90] =	vst v17;
	v21 =	vld.idx.msk [tilespmem:v22+s3+$0x0], $0xffff;
	v5 =	vshll.u32 v9, $0x7;
	v22 =	vor.u32 v2, v7  }
0x1a0: {  	s0 =	sand.u32 $0xE, s25;
	[tilespmem:s24+$0xFFFFFFE0] =	vst v6;
	v6 =	vperm.xlane v10, v24;
	v24 =	vld.idx.msk [tilespmem:v27+s3+$0x0], $0xffff;
	v29 =	vor.u32 v0, v5  }
0x1a1: {  	s28 =	simm.s32 $0x9;
	v17 =	vor.u32 v3, v26;
	v9 =	vmov s0;
	v12 =	vld.idx.msk [tilespmem:v12+s12+$0x0], $0xffff;
	[tilespmem:s23+$0xFFFFFF20] =	vst v13  }
0x1a2: {  	s29 =	sand.u32 $0xD, s28;
	v19 =	vor.u32 v3, v19;
	[tilespmem:s24+$0xD0] =	vst v15;
	v13 =	vperm.xlane v25, v9;
	v15 =	vld.idx.msk [tilespmem:v28+s3+$0x0], $0xffff  }
0x1a3: {  	[tilespmem:s24+$0x50] =	vst v23;
	v26 =	vmov s29;
	v6 =	vshll.u32 v6, $0x7;
	v23 =	vld.idx.msk [tilespmem:v16+s12+$0x0], $0xffff  }
0x1a4: {  	s30 =	sand.u32 $0xC, s26;
	v13 =	vshll.u32 v13, $0x7;
	v27 =	vor.u32 v0, v6;
	v16 =	vperm.xlane v25, v26;
	[tilespmem:s23+$0x30] =	vst v14;
	v22 =	vld.idx.msk [tilespmem:v22+s12+$0x0], $0xffff  }
0x1a5: {  	v28 =	vmov s30;
	v31 =	vor.u32 v0, v13;
	v14 =	vperm.xlane v10, v11;
	[tilespmem:s23+$0xFFFFFFA0] =	vst v21;
	v21 =	vld.idx.msk [tilespmem:v29+s12+$0x0], $0xffff  }
0x1a6: {  	s31 =	simm.s32 $0xB;
	v32 =	vor.u32 v3, v7;
	[tilespmem:s23+$0xA0] =	vst v24;
	v29 =	vperm.xlane v25, v28;
	v11 =	vshll.u32 v16, $0x7;
	v17 =	vld.idx.msk [tilespmem:v17+s3+$0x0], $0xffff  }
0x1a7: {  	s0 =	sand.u32 $0xF, s31;
	[tilespmem:s24+$0xFFFFFF70] =	vst v18;
	v24 =	vld.idx.msk [tilespmem:v19+s3+$0x0], $0xffff;
	v7 =	vshll.u32 v14, $0x7;
	v33 =	vor.u32 v0, v11  }
0x1a8: {  	v14 =	vld.idx.msk [tilespmem:v30+s14+$0x0], $0xffff;
	[tilespmem:s23+$0xFFFFFF30] =	vst v15;
	v16 =	vshll.u32 v29, $0x7;
	v15 =	vor.u32 v0, v7;
	v29 =	vmov s0  }
0x1a9: {  	[tilespmem:s24+$0xFFFFFFF0] =	vst v12;
	v30 =	vor.u32 v1, v5;
	v19 =	vld.idx.msk [tilespmem:v27+s12+$0x0], $0xffff;
	v25 =	vperm.xlane v25, v29  }
0x1aa: {  	v18 =	vor.u32 v0, v16;
	v27 =	vld.idx.msk [tilespmem:v31+s3+$0x0], $0xffff;
	[tilespmem:s24+$0x60] =	vst v22  }
0x1ab: {  	[tilespmem:s24+$0xE0] =	vst v23;
	v31 =	vld.idx.msk [tilespmem:v32+s12+$0x0], $0xffff;
	v12 =	vshll.u32 v25, $0x7;
	v25 =	vor.u32 v1, v6  }
0x1ac: {  	v22 =	vor.u32 v3, v20;
	[tilespmem:s23+$0xFFFFFFB0] =	vst v17;
	v20 =	vld.idx.msk [tilespmem:v33+s3+$0x0], $0xffff  }
0x1ad: {  	v8 =	vperm.xlane v10, v8;
	[tilespmem:s23+$0x40] =	vst v21;
	v17 =	vor.u32 v0, v12;
	v62 =	vld.idx.msk [tilespmem:v15+s12+$0x0], $0xffff  }
0x1ae: {  	v34 =	vor.u32 v1, v13;
	[tilespmem:s23+$0xB0] =	vst v24;
	v15 =	vld.idx.msk [tilespmem:v30+s12+$0x0], $0xffff  }
0x1af: {  	v8 =	vshll.u32 v8, $0x7;
	v35 =	vor.u32 v1, v7;
	[tilespmem:s23+$0xFFFFFF40] =	vst v19;
	v63 =	vld.idx.msk [tilespmem:v18+s3+$0x0], $0xffff  }
0x1b0: {  	s25 =	simm.s32 $0xA400;
	v10 =	vperm.xlane v14, v28;
	v24 =	vld.idx.msk [tilespmem:v25+s12+$0x0], $0xffff;
	v25 =	vperm.xlane v14, v29;
	v29 =	vor.u32 v1, v16  }
0x1b1: {  	v26 =	vperm.xlane v14, v26;
	v28 =	vor.u32 v0, v8;
	[tilespmem:s25+$0x0] =	vst v27;
	v23 =	vld.idx.msk [tilespmem:v22+s12+$0x0], $0xffff  }
0x1b2: {  	v18 =	vshll.u32 v10, $0x7;
	[tilespmem:s24+$0x70] =	vst v31;
	v22 =	vld.idx.msk [tilespmem:v17+s3+$0x0], $0xffff  }
0x1b3: {  	v17 =	vshll.u32 v26, $0x7;
	v26 =	vld.idx.msk [tilespmem:v34+s3+$0x0], $0xffff;
	[tilespmem:s23+$0xFFFFFFC0] =	vst v62;
	v10 =	vshll.u32 v25, $0x7;
	v25 =	vor.u32 v2, v6  }
0x1b4: {  	v21 =	vor.u32 v1, v11;
	v19 =	vor.u32 v2, v13;
	[tilespmem:s25+$0xFFFFFF00] =	vst v63;
	v27 =	vld.idx.msk [tilespmem:v35+s12+$0x0], $0xffff  }
.LBB2_7:
0x1b5: {  	v29 =	vld.idx.msk [tilespmem:v29+s3+$0x0], $0xffff;
	[tilespmem:s25+$0xFFFFFF80] =	vst v20;
	s0 =	smov.u32 s26;
	s26 =	sadd.s32 $0x4, s26  }
0x1b6: {  	v20 =	vor.u32 v2, v7;
	s1 =	sand.u32 $0x70, s26;
	s4 =	sand.u32 $0xC, s26;
	p0 =	slt.u32 s26, $0x7C;
	v28 =	vld.idx.msk [tilespmem:v28+s12+$0x0], $0xffff;
	[tilespmem:s24+$0xF0] =	vst v23  }
0x1b7: {  	v30 =	vor.u32 v2, v16;
	s24 =	smov.u32 s23;
	v23 =	vld.idx.msk [tilespmem:v4+s1+$0x0 ss:$0x1], $0xffff;
	[tilespmem:s23+$0xFFFFFF50] =	vst v24;
	s23 =	smov.u32 s25  }
0x1b8: {  	v24 =	vor.u32 v1, v12;
	v25 =	vld.idx.msk [tilespmem:v25+s12+$0x0], $0xffff  }
0x1b9: {  	v21 =	vld.idx.msk [tilespmem:v21+s3+$0x0], $0xffff;
	[tilespmem:s25+$0x10] =	vst v26;
	v26 =	vor.u32 v1, v8  }
0x1ba: {  	v19 =	vld.idx.msk [tilespmem:v19+s3+$0x0], $0xffff;
	[tilespmem:s24+$0xFFFFFFD0] =	vst v27  }
0x1bb: {  	v27 =	vor.u32 v3, v6;
	v6 =	vmov v18;
	[tilespmem:s25+$0xFFFFFF10] =	vst v29;
	v20 =	vld.idx.msk [tilespmem:v20+s12+$0x0], $0xffff  }
0x1bc: {  	v13 =	vor.u32 v3, v13;
	v18 =	vld.idx.msk [tilespmem:v30+s3+$0x0], $0xffff;
	[tilespmem:s25+$0x80] =	vst v22  }
0x1bd: {  	v22 =	vor.u32 v2, v11;
	v24 =	vld.idx.msk [tilespmem:v24+s3+$0x0], $0xffff;
	[tilespmem:s24+$0xC0] =	vst v28  }
0x1be: {  	[tilespmem:s24+$0xFFFFFF60] =	vst v25;
	v25 =	vor.u32 v3, v7;
	v26 =	vld.idx.msk [tilespmem:v26+s12+$0x0], $0xffff;
	v7 =	vmov v17  }
0x1bf: {  	v17 =	vld.idx.msk [tilespmem:v23+s13+$0x0], $0xffff;
	[tilespmem:s25+$0xFFFFFF90] =	vst v21;
	v21 =	vor.u32 v2, v12  }
0x1c0: {  	v16 =	vor.u32 v3, v16;
	v9 =	vperm.xlane v14, v9;
	[tilespmem:s25+$0x20] =	vst v19;
	v14 =	vld.idx.msk [tilespmem:v27+s12+$0x0], $0xffff  }
0x1c1: {  	v19 =	vld.idx.msk [tilespmem:v13+s3+$0x0], $0xffff;
	[tilespmem:s24+$0xFFFFFFE0] =	vst v20;
	v13 =	vor.u32 v2, v8  }
0x1c2: {  	s5 =	sadd.s32 $0x6, s0;
	s1 =	sadd.s32 $0x5, s0;
	v20 =	vshll.u32 v9, $0x7;
	[tilespmem:s25+$0xFFFFFF20] =	vst v18;
	v18 =	vld.idx.msk [tilespmem:v22+s3+$0x0], $0xffff;
	v22 =	vor.u32 v2, v5  }
0x1c3: {  	s0 =	sadd.s32 $0x7, s0;
	s1 =	sand.u32 $0xD, s1;
	v27 =	vmov s4;
	s4 =	sand.u32 $0xE, s5;
	v28 =	vor.u32 v0, v20;
	[tilespmem:s25+$0x90] =	vst v24;
	v24 =	vor.u32 v3, v12;
	v25 =	vld.idx.msk [tilespmem:v25+s12+$0x0], $0xffff  }
0x1c4: {  	s0 =	sand.u32 $0xF, s0;
	v29 =	vmov s1;
	v30 =	vor.u32 v3, v11;
	v9 =	vmov s4;
	v21 =	vld.idx.msk [tilespmem:v21+s3+$0x0], $0xffff;
	[tilespmem:s24+$0xD0] =	vst v26  }
0x1c5: {  	v11 =	vperm.xlane v17, v29;
	v12 =	vperm.xlane v17, v9;
	v26 =	vmov s0;
	v31 =	vld.idx.msk [tilespmem:v16+s3+$0x0], $0xffff;
	[tilespmem:s24+$0x50] =	vst v15  }
0x1c6: {  	v15 =	vperm.xlane v17, v27;
	v16 =	vperm.xlane v17, v26;
	[tilespmem:s24+$0xFFFFFF70] =	vst v14;
	v17 =	vld.idx.msk [tilespmem:v13+s12+$0x0], $0xffff  }
0x1c7: {  	v33 =	vor.u32 v3, v5;
	v32 =	vor.u32 v0, v6;
	v13 =	vshll.u32 v12, $0x7;
	[tilespmem:s25+$0x30] =	vst v19;
	v22 =	vld.idx.msk [tilespmem:v22+s12+$0x0], $0xffff  }
0x1c8: {  	v5 =	vmovc v20;
	v11 =	vshll.u32 v11, $0x7;
	v34 =	vor.u32 v0, v13;
	v12 =	vshll.u32 v16, $0x7;
	[tilespmem:s25+$0xFFFFFFA0] =	vst v18;
	v18 =	vld.idx.msk [tilespmem:v28+s12+$0x0], $0xffff  }
0x1c9: {  	v20 =	vor.u32 v0, v11;
	v35 =	vor.u32 v0, v12;
	v28 =	vld.idx.msk [tilespmem:v30+s3+$0x0], $0xffff;
	[tilespmem:s24+$0xFFFFFFF0] =	vst v25  }
0x1ca: {  	v19 =	vor.u32 v2, v13;
	v14 =	vld.idx.msk [tilespmem:v23+s14+$0x0], $0xffff;
	[tilespmem:s25+$0xA0] =	vst v21  }
0x1cb: {  	v16 =	vshll.u32 v15, $0x7;
	v15 =	vor.u32 v0, v7;
	[tilespmem:s25+$0xFFFFFF30] =	vst v31;
	v23 =	vld.idx.msk [tilespmem:v24+s3+$0x0], $0xffff  }
0x1cc: {  	v24 =	vor.u32 v0, v16;
	v25 =	vld.idx.msk [tilespmem:v32+s12+$0x0], $0xffff;
	[tilespmem:s24+$0xE0] =	vst v17  }
0x1cd: {  	v31 =	vor.u32 v1, v5;
	v30 =	vld.idx.msk [tilespmem:v34+s3+$0x0], $0xffff;
	[tilespmem:s24+$0x60] =	vst v22;
	v22 =	vor.u32 v3, v8;
	v8 =	vmov v10  }
0x1ce: {  	[tilespmem:s25+$0x40] =	vst v18;
	v32 =	vld.idx.msk [tilespmem:v33+s12+$0x0], $0xffff  }
0x1cf: {  	v33 =	vor.u32 v1, v6;
	v20 =	vld.idx.msk [tilespmem:v20+s3+$0x0], $0xffff;
	[tilespmem:s25+$0xFFFFFFB0] =	vst v28  }
0x1d0: {  	v21 =	vor.u32 v1, v11;
	v10 =	vperm.xlane v14, v27;
	v17 =	vperm.xlane v14, v29;
	v27 =	vld.idx.msk [tilespmem:v15+s12+$0x0], $0xffff  }
0x1d1: {  	v36 =	vor.u32 v1, v13;
	v34 =	vld.idx.msk [tilespmem:v24+s3+$0x0], $0xffff;
	v24 =	vperm.xlane v14, v26  }
0x1d2: {  	v37 =	vor.u32 v1, v7;
	s25 =	sadd.s32 $0x200, s25;
	v18 =	vshll.u32 v10, $0x7;
	v17 =	vshll.u32 v17, $0x7;
	[tilespmem:s23+$0xFFFFFF40] =	vst v25;
	v15 =	vld.idx.msk [tilespmem:v31+s12+$0x0], $0xffff  }
.Ltmp2:
0x1d3: {  	v29 =	vor.u32 v1, v16;
	v10 =	vshll.u32 v24, $0x7;
	[tilespmem:s23+$0xB0] =	vst v23;
	v23 =	vld.idx.msk [tilespmem:v22+s12+$0x0], $0xffff;
	(pc) =	sbr.rel @p0 .LBB2_7-.Ltmp2, $4  }
0x1d4: {  	v28 =	vor.u32 v0, v8;
	v24 =	vld.idx.msk [tilespmem:v33+s12+$0x0], $0xffff;
	[tilespmem:s24+$0x70] =	vst v32  }
0x1d5: {  	[tilespmem:s25+$0x0] =	vst v30;
	v22 =	vld.idx.msk [tilespmem:v35+s3+$0x0], $0xffff  }
0x1d6: {  	v25 =	vor.u32 v2, v6;
	v26 =	vld.idx.msk [tilespmem:v36+s3+$0x0], $0xffff;
	[tilespmem:s23+$0xFFFFFFC0] =	vst v27  }
0x1d7: {  	[tilespmem:s25+$0xFFFFFF00] =	vst v34;
	v27 =	vld.idx.msk [tilespmem:v37+s12+$0x0], $0xffff  }
0x1d8: {  	_ = 	snop  }
0x1d9: {  	v4 =	vor.u32 v1, v12;
	_ =	sdelay $0x2  }
0x1da: {  	v29 =	vld.idx.msk [tilespmem:v29+s3+$0x0], $0xffff;
	[tilespmem:s25+$0xFFFFFF80] =	vst v20  }
0x1db: {  	v59 =	vor.u32 v2, v16;
	v21 =	vld.idx.msk [tilespmem:v21+s3+$0x0], $0xffff;
	[tilespmem:s25+$0x80] =	vst v22  }
0x1dc: {  	v60 =	vor.u32 v2, v11;
	[tilespmem:s24+$0xF0] =	vst v23;
	v4 =	vld.idx.msk [tilespmem:v4+s3+$0x0], $0xffff  }
0x1dd: {  	v61 =	vor.u32 v2, v12;
	[tilespmem:s25+$0x10] =	vst v26  }
0x1de: {  	[tilespmem:s23+$0x50] =	vst v15;
	v19 =	vld.idx.msk [tilespmem:v19+s3+$0x0], $0xffff  }
0x1df: {  	v30 =	vor.u32 v3, v13;
	[tilespmem:s25+$0xFFFFFF10] =	vst v29  }
0x1e0: {  	v20 =	vld.idx.msk [tilespmem:v59+s3+$0x0], $0xffff;
	[tilespmem:s25+$0xFFFFFF90] =	vst v21  }
0x1e1: {  	v29 =	vor.u32 v3, v16;
	v21 =	vld.idx.msk [tilespmem:v60+s3+$0x0], $0xffff;
	[tilespmem:s25+$0x90] =	vst v4  }
0x1e2: {  	v9 =	vperm.xlane v14, v9;
	[tilespmem:s23+$0xFFFFFF50] =	vst v24;
	v4 =	vor.u32 v3, v11;
	v31 =	vld.idx.msk [tilespmem:v61+s3+$0x0], $0xffff  }
0x1e3: {  	v62 =	vld.idx.msk [tilespmem:v28+s12+$0x0], $0xffff;
	v33 =	vor.u32 v3, v12;
	[tilespmem:s25+$0x20] =	vst v19  }
0x1e4: {  	v63 =	vor.u32 v2, v7;
	v9 =	vshll.u32 v9, $0x7;
	[tilespmem:s23+$0xFFFFFFD0] =	vst v27;
	v11 =	vld.idx.msk [tilespmem:v30+s3+$0x0], $0xffff  }
0x1e5: {  	v32 =	vld.idx.msk [tilespmem:v25+s12+$0x0], $0xffff;
	v39 =	vor.u32 v0, v9;
	[tilespmem:s25+$0xFFFFFF20] =	vst v20  }
0x1e6: {  	v49 =	vor.u32 v2, v5;
	v36 =	vld.idx.msk [tilespmem:v29+s3+$0x0], $0xffff;
	[tilespmem:s25+$0xFFFFFFA0] =	vst v21  }
0x1e7: {  	v37 =	vor.u32 v0, v18;
	v4 =	vld.idx.msk [tilespmem:v4+s3+$0x0], $0xffff;
	[tilespmem:s25+$0xA0] =	vst v31  }
0x1e8: {  	v38 =	vor.u32 v0, v17;
	[tilespmem:s23+$0xC0] =	vst v62;
	v12 =	vld.idx.msk [tilespmem:v33+s3+$0x0], $0xffff  }
0x1e9: {  	v41 =	vor.u32 v0, v10;
	v35 =	vld.idx.msk [tilespmem:v63+s12+$0x0], $0xffff;
	[tilespmem:s25+$0x30] =	vst v11  }
0x1ea: {  	v34 =	vor.u32 v1, v8;
	[tilespmem:s23+$0xFFFFFF60] =	vst v32;
	v44 =	vld.idx.msk [tilespmem:v39+s12+$0x0], $0xffff  }
0x1eb: {  	v46 =	vor.u32 v1, v9;
	v56 =	vld.idx.msk [tilespmem:v49+s12+$0x0], $0xffff;
	[tilespmem:s25+$0xFFFFFF30] =	vst v36  }
0x1ec: {  	v6 =	vor.u32 v3, v6;
	v14 =	vld.idx.msk [tilespmem:v37+s12+$0x0], $0xffff;
	[tilespmem:s25+$0xFFFFFFB0] =	vst v4  }
0x1ed: {  	v4 =	vor.u32 v1, v18;
	v43 =	vld.idx.msk [tilespmem:v38+s12+$0x0], $0xffff;
	[tilespmem:s25+$0xB0] =	vst v12  }
0x1ee: {  	v45 =	vor.u32 v1, v17;
	[tilespmem:s23+$0xFFFFFFE0] =	vst v35;
	v47 =	vld.idx.msk [tilespmem:v41+s12+$0x0], $0xffff  }
0x1ef: {  	v48 =	vor.u32 v1, v10;
	v40 =	vld.idx.msk [tilespmem:v34+s12+$0x0], $0xffff;
	[tilespmem:s25+$0x40] =	vst v44  }
0x1f0: {  	v42 =	vor.u32 v3, v7;
	[tilespmem:s23+$0x60] =	vst v56;
	v12 =	vld.idx.msk [tilespmem:v46+s12+$0x0], $0xffff  }
0x1f1: {  	v55 =	vor.u32 v2, v9;
	v6 =	vld.idx.msk [tilespmem:v6+s12+$0x0], $0xffff;
	[tilespmem:s25+$0xFFFFFF40] =	vst v14  }
0x1f2: {  	v50 =	vor.u32 v2, v8;
	v4 =	vld.idx.msk [tilespmem:v4+s12+$0x0], $0xffff;
	[tilespmem:s25+$0xFFFFFFC0] =	vst v43  }
0x1f3: {  	v51 =	vor.u32 v2, v18;
	v52 =	vld.idx.msk [tilespmem:v45+s12+$0x0], $0xffff;
	[tilespmem:s25+$0xC0] =	vst v47  }
0x1f4: {  	v53 =	vor.u32 v2, v17;
	[tilespmem:s23+$0xD0] =	vst v40;
	v54 =	vld.idx.msk [tilespmem:v48+s12+$0x0], $0xffff  }
0x1f5: {  	v57 =	vor.u32 v2, v10;
	v7 =	vld.idx.msk [tilespmem:v42+s12+$0x0], $0xffff;
	[tilespmem:s25+$0x50] =	vst v12  }
0x1f6: {  	v5 =	vor.u32 v3, v5;
	[tilespmem:s23+$0xFFFFFF70] =	vst v6;
	v61 =	vld.idx.msk [tilespmem:v55+s12+$0x0], $0xffff  }
0x1f7: {  	v9 =	vor.u32 v3, v9;
	v14 =	vld.idx.msk [tilespmem:v50+s12+$0x0], $0xffff;
	[tilespmem:s25+$0xFFFFFF50] =	vst v4  }
0x1f8: {  	v4 =	vor.u32 v3, v8;
	v58 =	vld.idx.msk [tilespmem:v51+s12+$0x0], $0xffff;
	[tilespmem:s25+$0xFFFFFFD0] =	vst v52  }
0x1f9: {  	v59 =	vor.u32 v3, v18;
	v13 =	vld.idx.msk [tilespmem:v53+s12+$0x0], $0xffff;
	[tilespmem:s25+$0xD0] =	vst v54  }
0x1fa: {  	v60 =	vor.u32 v3, v17;
	[tilespmem:s23+$0xFFFFFFF0] =	vst v7;
	v7 =	vld.idx.msk [tilespmem:v57+s12+$0x0], $0xffff  }
0x1fb: {  	v62 =	vor.u32 v3, v10;
	v5 =	vld.idx.msk [tilespmem:v5+s12+$0x0], $0xffff;
	[tilespmem:s25+$0x60] =	vst v61  }
0x1fc: {  	[tilespmem:s23+$0xE0] =	vst v14;
	v6 =	vld.idx.msk [tilespmem:v9+s12+$0x0], $0xffff  }
0x1fd: {  	v4 =	vld.idx.msk [tilespmem:v4+s12+$0x0], $0xffff;
	[tilespmem:s25+$0xFFFFFF60] =	vst v58  }
0x1fe: {  	v8 =	vld.idx.msk [tilespmem:v59+s12+$0x0], $0xffff;
	[tilespmem:s25+$0xFFFFFFE0] =	vst v13  }
0x1ff: {  	v63 =	vld.idx.msk [tilespmem:v60+s12+$0x0], $0xffff;
	[tilespmem:s25+$0xE0] =	vst v7  }
0x200: {  	s21 =	sadd.s32 $0x1, s21;
	[tilespmem:s23+$0x70] =	vst v5;
	v5 =	vld.idx.msk [tilespmem:v62+s12+$0x0], $0xffff  }
0x201: {  	p0 =	sne.s32 s21, $0x19;
	[tilespmem:s25+$0x70] =	vst v6  }
.Ltmp3:
0x202: {  	s0 =	sadd.s32 s9, s22;
	[tilespmem:s23+$0xF0] =	vst v4;
	(pc) =	sbr.rel @p0 .LBB2_4-.Ltmp3, $4  }
0x203: {  	s0 =	sshll.u32 s0, $0xB;
	[tilespmem:s25+$0xFFFFFF70] =	vst v8  }
0x204: {  	s0 =	sand.u32 $0x1FFFF800, s0;
	[tilespmem:s25+$0xFFFFFFF0] =	vst v63  }
0x205: {  	s0 =	sadd.s32 s2, s0;
	[tilespmem:s25+$0xF0] =	vst v5  }
0x206: {  	[hbm4b:s0+s3] =	stream.linear.scatter [tilespmem:s17], [sflag:$0x2], $0x4000, $0x38;
	[tilespmem:$0xDF00] =	vst v63  }
0x207: {  	s20 =	sadd.s32 $0x1, s20  }
0x208: {  	_ =	swait.ge [sflag:s18], $0x4000;
	p0 =	sne.s32 s20, s10  }
.Ltmp4:
0x209: {  	[sflag:s18] =	ssyncset.done $0x0;
	(pc) =	sbr.rel @p0 .LBB2_1-.Ltmp4, $4  }
0x20a: {  	[sflag:s18] =	ssyncadd.s32 $0xFFFFC000  }
0x20b: {  	_ =	swait.ge [sflag:s19], $0x4000  }
0x20c: {  	[sflag:s19] =	ssyncset.done $0x0  }
0x20d: {  	[sflag:s19] =	ssyncadd.s32 $0xFFFFC000  }
0x20e: {  	_ =	sfence.sel $0x180000  }
0x20f: {  	[bflag:$0x0] =	sbarrier.arrive $0xFFFF  }
0x210: {  	_ =	strace $0x90000047  }
0x211: {  	s0 =	stileid.u32;
	[bflag:$0x2] =	sbarrier.arrive $0xFFFF  }
0x212: {  	p0 =	sne.s32 s0, $0x0;
	s0 =	rddreg [dreg:$0x2]  }
0x213: {  	s0 =	sadd.s32 @!p0 $0x100000, s0  }
0x214: {  	[sflag:s0] =	ssyncadd.tile.s32 @!p0 $0x1;
	_ =	shalt  }
.Lfunc_end2:
_tile_overlayer_lowered:
.L_overlay_start_2:
0x215: {  	(tag) =	ssettag $0x2  }
0x216: {  	s0 =	rddreg [dreg:$0x0];
	s2 =	stileid.u32  }
0x217: {  	s1 =	rddreg [dreg:$0x1];
	p0 =	sne.s32 s2, $0x0  }
0x218: {  	s3 =	rddreg [dreg:$0x2];
	[bflag:$0x3] =	sbarrier.arrive $0xFFFF;
	s2 =	simm.s32 @!p0 $0x1C03  }
0x219: {  	[timem:s3], [sflag:s2] =	dma.local @!p0 [hbm:s0], s1  }
0x21a: {  	s0 =	simm.s32 @!p0 $0x3  }
0x21b: {  	_ =	swait.ge @!p0 [sflag:s0], s1  }
0x21c: {  	s1 =	ssub.s32 @!p0 $0x0, s1;
	[sflag:s0] =	ssyncset.done @!p0 $0x0  }
0x21d: {  	[sflag:s0] =	ssyncadd.s32 @!p0 s1  }
0x21e: {  	[bflag:$0x3] =	sbarrier.arrive $0xFFFF  }
0x21f: {  	_ =	shalt  }

</sc_bundles>
